<compile_context>
chip_gen: v7x
topology: tpu7x:2x2x1
jax: 0.10.2.dev20260603
libtpu: 0.0.44.dev20260713+nightly
codegen_flags: <defaults>
</compile_context>

<pallas_src>
import functools

import jax
import jax.numpy as jnp
from jax import lax
from jax.experimental import pallas as pl
from jax.experimental.pallas import tpu as pltpu
from jax.experimental.pallas import tpu_sc as plsc

NC, NS = 2, 16
NW = NC * NS
LANE = 128
CW = 1408


def _make_sc_gather(b, v, d):
    rpw = b // NW
    dal = (d // LANE) * LANE
    nb = dal // CW
    assert b % NW == 0 and rpw % 8 == 0 and dal % CW == 0 and nb >= 3

    mesh = plsc.VectorSubcoreMesh(core_axis_name="c", subcore_axis_name="s")

    @functools.partial(
        pl.kernel,
        out_type=jax.ShapeDtypeStruct((b, d), jnp.float32),
        mesh=mesh,
        scratch_types=[
            pltpu.VMEM((rpw,), jnp.int32),
            pltpu.VMEM((2, rpw, CW), jnp.float32),
            pltpu.SemaphoreType.DMA((2,)),
            pltpu.SemaphoreType.DMA((2,)),
        ],
    )
    def gather(e_hbm, table_hbm, out_hbm, idx_v, bufs, gsem, ssem):
        wid = lax.axis_index("s") * NC + lax.axis_index("c")
        base = wid * rpw
        pltpu.sync_copy(e_hbm.at[pl.ds(base, rpw)], idx_v)

        def gcopy(c, slot):
            return pltpu.make_async_copy(
                table_hbm.at[idx_v, pl.ds(c * CW, CW)],
                bufs.at[slot],
                gsem.at[slot],
            )

        def scopy(c, slot):
            return pltpu.make_async_copy(
                bufs.at[slot],
                out_hbm.at[pl.ds(base, rpw), pl.ds(c * CW, CW)],
                ssem.at[slot],
            )

        gcopy(0, 0).start()
        gcopy(1, 1).start()
        gcopy(0, 0).wait()
        scopy(0, 0).start()

        def body(c, _):
            slot = lax.rem(c, 2)
            nslot = lax.rem(c + 1, 2)
            gcopy(c, slot).wait()
            scopy(c, slot).start()
            scopy(c - 1, nslot).wait()
            gcopy(c + 1, nslot).start()
            return ()

        lax.fori_loop(1, nb - 1, body, ())

        last = nb - 1
        lslot = lax.rem(last, 2)
        gcopy(last, lslot).wait()
        scopy(last, lslot).start()
        scopy(last - 1, lax.rem(last + 1, 2)).wait()
        scopy(last, lslot).wait()

    return gather


def _make_tc_tail(b, v, d):
    dal = (d // LANE) * LANE
    tailblk = dal // LANE

    def tail_kernel(e_ref, wtail_ref, _, o_ref):
        e = e_ref[:]
        onehot = (
            e[:, None] == lax.broadcasted_iota(jnp.int32, (b, v), 1)
        ).astype(jnp.float32)
        o_ref[...] = jnp.dot(
            onehot, wtail_ref[...], preferred_element_type=jnp.float32
        )

    return pl.pallas_call(
        tail_kernel,
        grid=(1,),
        out_shape=jax.ShapeDtypeStruct((b, d), jnp.float32),
        in_specs=[
            pl.BlockSpec((b,), lambda i: (0,)),
            pl.BlockSpec((v, LANE), lambda i: (0, tailblk)),
            pl.BlockSpec(memory_space=pl.ANY),
        ],
        out_specs=pl.BlockSpec((b, LANE), lambda i: (0, tailblk)),
        input_output_aliases={2: 0},
    )


def kernel(e, weight):
    b = e.shape[0]
    v, d = weight.shape
    ei = e.astype(jnp.int32)
    out = _make_sc_gather(b, v, d)(ei, weight)
    out = _make_tc_tail(b, v, d)(ei, weight, out)
    return out.reshape(b, 1, d)

# --- scband reference (transcript-rebuilt; emitter-appended) ---
"""Pipeline reference for scband-ebd-73804718014987 (READ-ONLY COPY).

The authoritative reference and input builder live on the scoring server;
editing this copy changes nothing except your own understanding.
"""

import jax, jax.numpy as jnp
import numpy as np


def setup_inputs(seed: int = 0) -> dict:
    key = jax.random.key(seed)
    k1, = jax.random.split(key, 1)
    # forward arg: environment indices, values in [0, num_envs)
    e = jax.random.randint(k1, (1024,), 0, 1000, dtype=jnp.int32)
    # learned parameter: embedding table [num_envs, num_classes], init filled with 1.0
    weight = jnp.ones((1000, 100000), dtype=jnp.float32)
    return {"e": e, "weight": weight}


def reference(e, weight):
    # torch: self.embeddings(e.long())[:, None, :]
    out = jnp.take(weight, e.astype(jnp.int32), axis=0)
    return out[:, None, :]

if __name__ == "__main__":
    import jax
    _d = setup_inputs()
    print(jax.jit(kernel)(*tuple(_d.values())))

</pallas_src>

<mosaic_0001>
#map = affine_map<(d0, d1) -> (0)>
#map1 = affine_map<(d0, d1) -> (0, 0)>
module attributes {stable_mosaic.version = 14 : i64} {
  func.func @gather(%arg0: i32, %arg1: i32, %arg2: memref<1024xi32, #tpu.memory_space<hbm>>, %arg3: memref<1000x100000xf32, #tpu.memory_space<hbm>>, %arg4: memref<1024x100000xf32, #tpu.memory_space<hbm>>, %arg5: memref<32xi32, #tpu.memory_space<vmem>>, %arg6: memref<2x32x1408xf32, #tpu.memory_space<vmem>>, %arg7: memref<2x!tpu.dma_semaphore, #tpu.memory_space<semaphore_mem>>, %arg8: memref<2x!tpu.dma_semaphore, #tpu.memory_space<semaphore_mem>>) attributes {dimension_semantics = [#tpu.dimension_semantics<core_parallel>, #tpu.dimension_semantics<subcore_parallel>], iteration_bounds = array<i64: 2, 16>, scalar_prefetch = 0 : i64, scratch_operands = 4 : i64, tpu.core_type = #tpu.core_type<sc_vector_subcore>, window_params = [{transform_indices = #map}, {transform_indices = #map1}, {transform_indices = #map1}]} {
    %mul3A = arith.constant 2 : i32
    %mul3A_0 = arith.muli %arg1, %mul3A : i32
    %add3A = arith.addi %mul3A_0, %arg0 : i32
    %mul3A_1 = arith.constant 32 : i32
    %mul3A_2 = arith.muli %add3A, %mul3A_1 : i32
    "tpu.region"() ({
      %run_scoped3A = tpu.sem_alloc : memref<!tpu.dma_semaphore, #tpu.memory_space<semaphore_mem>>
      %dma_start3A_110 = tpu.memref_slice %arg2[%mul3A_2] : memref<1024xi32, #tpu.memory_space<hbm>> -> memref<32xi32, #tpu.memory_space<hbm>>
      %dma_start3A_111 = tpu.memref_slice %arg2[%mul3A_2] : memref<1024xi32, #tpu.memory_space<hbm>> -> memref<32xi32, #tpu.memory_space<hbm>>
      tpu.enqueue_dma source(%dma_start3A_111 : memref<32xi32, #tpu.memory_space<hbm>>) target(%arg5 : memref<32xi32, #tpu.memory_space<vmem>>) target_semaphore(%run_scoped3A : memref<!tpu.dma_semaphore, #tpu.memory_space<semaphore_mem>>)
      %dma_wait3A_112 = tpu.memref_slice %arg2[%mul3A_2] : memref<1024xi32, #tpu.memory_space<hbm>> -> memref<32xi32, #tpu.memory_space<hbm>>
      %dma_wait3A_113 = tpu.memref_slice %arg2[%mul3A_2] : memref<1024xi32, #tpu.memory_space<hbm>> -> memref<32xi32, #tpu.memory_space<hbm>>
      tpu.wait_dma2 semaphore(%run_scoped3A : memref<!tpu.dma_semaphore, #tpu.memory_space<semaphore_mem>>) src(%dma_wait3A_113 : memref<32xi32, #tpu.memory_space<hbm>>) dst(%arg5 : memref<32xi32, #tpu.memory_space<vmem>>)
      tpu.yield
    }) : () -> ()
    %dma_start3A = arith.constant 0 : i32
    %dma_start3A_3 = arith.constant 0 : i32
    %dma_start3A_4 = arith.constant 0 : i32
    %dma_start3A_5 = arith.constant 0 : i32
    %dma_start3A_6 = tpu.memref_slice %arg6[%dma_start3A, %dma_start3A_4, %dma_start3A_5] : memref<2x32x1408xf32, #tpu.memory_space<vmem>> -> memref<1x32x1408xf32, #tpu.memory_space<vmem>>
    %dma_start3A_7 = tpu.memref_squeeze %dma_start3A_6 : memref<1x32x1408xf32, #tpu.memory_space<vmem>> -> memref<32x1408xf32, #tpu.memory_space<vmem>>
    %dma_start3A_8 = arith.constant 0 : i32
    %dma_start3A_9 = arith.constant 0 : i32
    %dma_start3A_10 = tpu.memref_slice %arg3[%dma_start3A_8, %dma_start3A_9] : memref<1000x100000xf32, #tpu.memory_space<hbm>> -> memref<1000x1408xf32, #tpu.memory_space<hbm>>
    %dma_start3A_11 = tpu.memref_slice %arg7[%dma_start3A_3] : memref<2x!tpu.dma_semaphore, #tpu.memory_space<semaphore_mem>> -> memref<1x!tpu.dma_semaphore, #tpu.memory_space<semaphore_mem>>
    %dma_start3A_12 = tpu.memref_squeeze %dma_start3A_11 : memref<1x!tpu.dma_semaphore, #tpu.memory_space<semaphore_mem>> -> memref<!tpu.dma_semaphore, #tpu.memory_space<semaphore_mem>>
    tpu.enqueue_indirect_dma source(%dma_start3A_10 : memref<1000x1408xf32, #tpu.memory_space<hbm>>) target(%dma_start3A_7 : memref<32x1408xf32, #tpu.memory_space<vmem>>) offsets(%arg5 : memref<32xi32, #tpu.memory_space<vmem>>) semaphore(%dma_start3A_12 : memref<!tpu.dma_semaphore, #tpu.memory_space<semaphore_mem>>)
    %dma_start3A_13 = arith.constant 1 : i32
    %dma_start3A_14 = arith.constant 1 : i32
    %dma_start3A_15 = arith.constant 0 : i32
    %dma_start3A_16 = arith.constant 0 : i32
    %dma_start3A_17 = tpu.memref_slice %arg6[%dma_start3A_13, %dma_start3A_15, %dma_start3A_16] : memref<2x32x1408xf32, #tpu.memory_space<vmem>> -> memref<1x32x1408xf32, #tpu.memory_space<vmem>>
    %dma_start3A_18 = tpu.memref_squeeze %dma_start3A_17 : memref<1x32x1408xf32, #tpu.memory_space<vmem>> -> memref<32x1408xf32, #tpu.memory_space<vmem>>
    %dma_start3A_19 = arith.constant 0 : i32
    %dma_start3A_20 = arith.constant 1408 : i32
    %dma_start3A_21 = tpu.memref_slice %arg3[%dma_start3A_19, %dma_start3A_20] : memref<1000x100000xf32, #tpu.memory_space<hbm>> -> memref<1000x1408xf32, #tpu.memory_space<hbm>>
    %dma_start3A_22 = tpu.memref_slice %arg7[%dma_start3A_14] : memref<2x!tpu.dma_semaphore, #tpu.memory_space<semaphore_mem>> -> memref<1x!tpu.dma_semaphore, #tpu.memory_space<semaphore_mem>>
    %dma_start3A_23 = tpu.memref_squeeze %dma_start3A_22 : memref<1x!tpu.dma_semaphore, #tpu.memory_space<semaphore_mem>> -> memref<!tpu.dma_semaphore, #tpu.memory_space<semaphore_mem>>
    tpu.enqueue_indirect_dma source(%dma_start3A_21 : memref<1000x1408xf32, #tpu.memory_space<hbm>>) target(%dma_start3A_18 : memref<32x1408xf32, #tpu.memory_space<vmem>>) offsets(%arg5 : memref<32xi32, #tpu.memory_space<vmem>>) semaphore(%dma_start3A_23 : memref<!tpu.dma_semaphore, #tpu.memory_space<semaphore_mem>>)
    %dma_wait3A = arith.constant 0 : i32
    %dma_wait3A_24 = arith.constant 0 : i32
    %dma_wait3A_25 = arith.constant 0 : i32
    %dma_wait3A_26 = arith.constant 0 : i32
    %dma_wait3A_27 = tpu.memref_slice %arg6[%dma_wait3A, %dma_wait3A_25, %dma_wait3A_26] : memref<2x32x1408xf32, #tpu.memory_space<vmem>> -> memref<1x32x1408xf32, #tpu.memory_space<vmem>>
    %dma_wait3A_28 = tpu.memref_squeeze %dma_wait3A_27 : memref<1x32x1408xf32, #tpu.memory_space<vmem>> -> memref<32x1408xf32, #tpu.memory_space<vmem>>
    %dma_wait3A_29 = arith.constant 0 : i32
    %dma_wait3A_30 = arith.constant 0 : i32
    %dma_wait3A_31 = tpu.memref_slice %arg3[%dma_wait3A_29, %dma_wait3A_30] : memref<1000x100000xf32, #tpu.memory_space<hbm>> -> memref<1000x1408xf32, #tpu.memory_space<hbm>>
    %dma_wait3A_32 = tpu.memref_slice %arg7[%dma_wait3A_24] : memref<2x!tpu.dma_semaphore, #tpu.memory_space<semaphore_mem>> -> memref<1x!tpu.dma_semaphore, #tpu.memory_space<semaphore_mem>>
    %dma_wait3A_33 = tpu.memref_squeeze %dma_wait3A_32 : memref<1x!tpu.dma_semaphore, #tpu.memory_space<semaphore_mem>> -> memref<!tpu.dma_semaphore, #tpu.memory_space<semaphore_mem>>
    tpu.wait_indirect_dma semaphore(%dma_wait3A_33 : memref<!tpu.dma_semaphore, #tpu.memory_space<semaphore_mem>>) src(%dma_wait3A_31 : memref<1000x1408xf32, #tpu.memory_space<hbm>>) dst(%dma_wait3A_28 : memref<32x1408xf32, #tpu.memory_space<vmem>>)
    %dma_start3A_34 = arith.constant 0 : i32
    %dma_start3A_35 = arith.constant 0 : i32
    %dma_start3A_36 = arith.constant 0 : i32
    %dma_start3A_37 = arith.constant 0 : i32
    %dma_start3A_38 = tpu.memref_slice %arg6[%dma_start3A_34, %dma_start3A_36, %dma_start3A_37] : memref<2x32x1408xf32, #tpu.memory_space<vmem>> -> memref<1x32x1408xf32, #tpu.memory_space<vmem>>
    %dma_start3A_39 = tpu.memref_squeeze %dma_start3A_38 : memref<1x32x1408xf32, #tpu.memory_space<vmem>> -> memref<32x1408xf32, #tpu.memory_space<vmem>>
    %dma_start3A_40 = arith.constant 0 : i32
    %dma_start3A_41 = tpu.memref_slice %arg4[%mul3A_2, %dma_start3A_40] : memref<1024x100000xf32, #tpu.memory_space<hbm>> -> memref<32x1408xf32, #tpu.memory_space<hbm>>
    %dma_start3A_42 = tpu.memref_slice %arg8[%dma_start3A_35] : memref<2x!tpu.dma_semaphore, #tpu.memory_space<semaphore_mem>> -> memref<1x!tpu.dma_semaphore, #tpu.memory_space<semaphore_mem>>
    %dma_start3A_43 = tpu.memref_squeeze %dma_start3A_42 : memref<1x!tpu.dma_semaphore, #tpu.memory_space<semaphore_mem>> -> memref<!tpu.dma_semaphore, #tpu.memory_space<semaphore_mem>>
    %dma_start3A_44 = arith.constant 0 : i32
    %dma_start3A_45 = tpu.memref_slice %arg4[%mul3A_2, %dma_start3A_44] : memref<1024x100000xf32, #tpu.memory_space<hbm>> -> memref<32x1408xf32, #tpu.memory_space<hbm>>
    %dma_start3A_46 = arith.constant 0 : i32
    %dma_start3A_47 = arith.constant 0 : i32
    %dma_start3A_48 = tpu.memref_slice %arg6[%dma_start3A_34, %dma_start3A_46, %dma_start3A_47] : memref<2x32x1408xf32, #tpu.memory_space<vmem>> -> memref<1x32x1408xf32, #tpu.memory_space<vmem>>
    %dma_start3A_49 = tpu.memref_squeeze %dma_start3A_48 : memref<1x32x1408xf32, #tpu.memory_space<vmem>> -> memref<32x1408xf32, #tpu.memory_space<vmem>>
    tpu.enqueue_dma source(%dma_start3A_49 : memref<32x1408xf32, #tpu.memory_space<vmem>>) target(%dma_start3A_45 : memref<32x1408xf32, #tpu.memory_space<hbm>>) target_semaphore(%dma_start3A_43 : memref<!tpu.dma_semaphore, #tpu.memory_space<semaphore_mem>>)
    %scan3A = arith.constant 1 : i32
    %scan3A_50 = arith.constant 69 : i32
    %scan3A_51 = arith.addi %scan3A, %scan3A_50 : i32
    %scan3A_52 = arith.constant 1 : i32
    scf.for %scan3A_110 = %scan3A to %scan3A_51 step %scan3A_52  : i32 {
      %rem3A_111 = arith.constant 2 : i32
      %rem3A_112 = arith.remsi %scan3A_110, %rem3A_111 : i32
      %add3A_113 = arith.constant 1 : i32
      %add3A_114 = arith.addi %scan3A_110, %add3A_113 : i32
      %rem3A_115 = arith.constant 2 : i32
      %rem3A_116 = arith.remsi %add3A_114, %rem3A_115 : i32
      %mul3A_117 = arith.constant 1408 : i32
      %mul3A_118 = arith.muli %scan3A_110, %mul3A_117 : i32
      %dma_wait3A_119 = arith.constant 0 : i32
      %dma_wait3A_120 = arith.constant 0 : i32
      %dma_wait3A_121 = tpu.memref_slice %arg6[%rem3A_112, %dma_wait3A_119, %dma_wait3A_120] : memref<2x32x1408xf32, #tpu.memory_space<vmem>> -> memref<1x32x1408xf32, #tpu.memory_space<vmem>>
      %dma_wait3A_122 = tpu.memref_squeeze %dma_wait3A_121 : memref<1x32x1408xf32, #tpu.memory_space<vmem>> -> memref<32x1408xf32, #tpu.memory_space<vmem>>
      %dma_wait3A_123 = arith.constant 0 : i32
      %dma_wait3A_124 = tpu.memref_slice %arg3[%dma_wait3A_123, %mul3A_118] : memref<1000x100000xf32, #tpu.memory_space<hbm>> -> memref<1000x1408xf32, #tpu.memory_space<hbm>>
      %dma_wait3A_125 = tpu.memref_slice %arg7[%rem3A_112] : memref<2x!tpu.dma_semaphore, #tpu.memory_space<semaphore_mem>> -> memref<1x!tpu.dma_semaphore, #tpu.memory_space<semaphore_mem>>
      %dma_wait3A_126 = tpu.memref_squeeze %dma_wait3A_125 : memref<1x!tpu.dma_semaphore, #tpu.memory_space<semaphore_mem>> -> memref<!tpu.dma_semaphore, #tpu.memory_space<semaphore_mem>>
      tpu.wait_indirect_dma semaphore(%dma_wait3A_126 : memref<!tpu.dma_semaphore, #tpu.memory_space<semaphore_mem>>) src(%dma_wait3A_124 : memref<1000x1408xf32, #tpu.memory_space<hbm>>) dst(%dma_wait3A_122 : memref<32x1408xf32, #tpu.memory_space<vmem>>)
      %mul3A_127 = arith.constant 1408 : i32
      %mul3A_128 = arith.muli %scan3A_110, %mul3A_127 : i32
      %dma_start3A_129 = arith.constant 0 : i32
      %dma_start3A_130 = arith.constant 0 : i32
      %dma_start3A_131 = tpu.memref_slice %arg6[%rem3A_112, %dma_start3A_129, %dma_start3A_130] : memref<2x32x1408xf32, #tpu.memory_space<vmem>> -> memref<1x32x1408xf32, #tpu.memory_space<vmem>>
      %dma_start3A_132 = tpu.memref_squeeze %dma_start3A_131 : memref<1x32x1408xf32, #tpu.memory_space<vmem>> -> memref<32x1408xf32, #tpu.memory_space<vmem>>
      %dma_start3A_133 = tpu.memref_slice %arg4[%mul3A_2, %mul3A_128] : memref<1024x100000xf32, #tpu.memory_space<hbm>> -> memref<32x1408xf32, #tpu.memory_space<hbm>>
      %dma_start3A_134 = tpu.memref_slice %arg8[%rem3A_112] : memref<2x!tpu.dma_semaphore, #tpu.memory_space<semaphore_mem>> -> memref<1x!tpu.dma_semaphore, #tpu.memory_space<semaphore_mem>>
      %dma_start3A_135 = tpu.memref_squeeze %dma_start3A_134 : memref<1x!tpu.dma_semaphore, #tpu.memory_space<semaphore_mem>> -> memref<!tpu.dma_semaphore, #tpu.memory_space<semaphore_mem>>
      %dma_start3A_136 = tpu.memref_slice %arg4[%mul3A_2, %mul3A_128] : memref<1024x100000xf32, #tpu.memory_space<hbm>> -> memref<32x1408xf32, #tpu.memory_space<hbm>>
      %dma_start3A_137 = arith.constant 0 : i32
      %dma_start3A_138 = arith.constant 0 : i32
      %dma_start3A_139 = tpu.memref_slice %arg6[%rem3A_112, %dma_start3A_137, %dma_start3A_138] : memref<2x32x1408xf32, #tpu.memory_space<vmem>> -> memref<1x32x1408xf32, #tpu.memory_space<vmem>>
      %dma_start3A_140 = tpu.memref_squeeze %dma_start3A_139 : memref<1x32x1408xf32, #tpu.memory_space<vmem>> -> memref<32x1408xf32, #tpu.memory_space<vmem>>
      tpu.enqueue_dma source(%dma_start3A_140 : memref<32x1408xf32, #tpu.memory_space<vmem>>) target(%dma_start3A_136 : memref<32x1408xf32, #tpu.memory_space<hbm>>) target_semaphore(%dma_start3A_135 : memref<!tpu.dma_semaphore, #tpu.memory_space<semaphore_mem>>)
      %sub3A = arith.constant 1 : i32
      %sub3A_141 = arith.subi %scan3A_110, %sub3A : i32
      %mul3A_142 = arith.constant 1408 : i32
      %mul3A_143 = arith.muli %sub3A_141, %mul3A_142 : i32
      %dma_wait3A_144 = arith.constant 0 : i32
      %dma_wait3A_145 = arith.constant 0 : i32
      %dma_wait3A_146 = tpu.memref_slice %arg6[%rem3A_116, %dma_wait3A_144, %dma_wait3A_145] : memref<2x32x1408xf32, #tpu.memory_space<vmem>> -> memref<1x32x1408xf32, #tpu.memory_space<vmem>>
      %dma_wait3A_147 = tpu.memref_squeeze %dma_wait3A_146 : memref<1x32x1408xf32, #tpu.memory_space<vmem>> -> memref<32x1408xf32, #tpu.memory_space<vmem>>
      %dma_wait3A_148 = tpu.memref_slice %arg4[%mul3A_2, %mul3A_143] : memref<1024x100000xf32, #tpu.memory_space<hbm>> -> memref<32x1408xf32, #tpu.memory_space<hbm>>
      %dma_wait3A_149 = tpu.memref_slice %arg8[%rem3A_116] : memref<2x!tpu.dma_semaphore, #tpu.memory_space<semaphore_mem>> -> memref<1x!tpu.dma_semaphore, #tpu.memory_space<semaphore_mem>>
      %dma_wait3A_150 = tpu.memref_squeeze %dma_wait3A_149 : memref<1x!tpu.dma_semaphore, #tpu.memory_space<semaphore_mem>> -> memref<!tpu.dma_semaphore, #tpu.memory_space<semaphore_mem>>
      %dma_wait3A_151 = tpu.memref_slice %arg4[%mul3A_2, %mul3A_143] : memref<1024x100000xf32, #tpu.memory_space<hbm>> -> memref<32x1408xf32, #tpu.memory_space<hbm>>
      %dma_wait3A_152 = arith.constant 0 : i32
      %dma_wait3A_153 = arith.constant 0 : i32
      %dma_wait3A_154 = tpu.memref_slice %arg6[%rem3A_116, %dma_wait3A_152, %dma_wait3A_153] : memref<2x32x1408xf32, #tpu.memory_space<vmem>> -> memref<1x32x1408xf32, #tpu.memory_space<vmem>>
      %dma_wait3A_155 = tpu.memref_squeeze %dma_wait3A_154 : memref<1x32x1408xf32, #tpu.memory_space<vmem>> -> memref<32x1408xf32, #tpu.memory_space<vmem>>
      tpu.wait_dma2 semaphore(%dma_wait3A_150 : memref<!tpu.dma_semaphore, #tpu.memory_space<semaphore_mem>>) src(%dma_wait3A_155 : memref<32x1408xf32, #tpu.memory_space<vmem>>) dst(%dma_wait3A_151 : memref<32x1408xf32, #tpu.memory_space<hbm>>)
      %add3A_156 = arith.constant 1 : i32
      %add3A_157 = arith.addi %scan3A_110, %add3A_156 : i32
      %mul3A_158 = arith.constant 1408 : i32
      %mul3A_159 = arith.muli %add3A_157, %mul3A_158 : i32
      %dma_start3A_160 = arith.constant 0 : i32
      %dma_start3A_161 = arith.constant 0 : i32
      %dma_start3A_162 = tpu.memref_slice %arg6[%rem3A_116, %dma_start3A_160, %dma_start3A_161] : memref<2x32x1408xf32, #tpu.memory_space<vmem>> -> memref<1x32x1408xf32, #tpu.memory_space<vmem>>
      %dma_start3A_163 = tpu.memref_squeeze %dma_start3A_162 : memref<1x32x1408xf32, #tpu.memory_space<vmem>> -> memref<32x1408xf32, #tpu.memory_space<vmem>>
      %dma_start3A_164 = arith.constant 0 : i32
      %dma_start3A_165 = tpu.memref_slice %arg3[%dma_start3A_164, %mul3A_159] : memref<1000x100000xf32, #tpu.memory_space<hbm>> -> memref<1000x1408xf32, #tpu.memory_space<hbm>>
      %dma_start3A_166 = tpu.memref_slice %arg7[%rem3A_116] : memref<2x!tpu.dma_semaphore, #tpu.memory_space<semaphore_mem>> -> memref<1x!tpu.dma_semaphore, #tpu.memory_space<semaphore_mem>>
      %dma_start3A_167 = tpu.memref_squeeze %dma_start3A_166 : memref<1x!tpu.dma_semaphore, #tpu.memory_space<semaphore_mem>> -> memref<!tpu.dma_semaphore, #tpu.memory_space<semaphore_mem>>
      tpu.enqueue_indirect_dma source(%dma_start3A_165 : memref<1000x1408xf32, #tpu.memory_space<hbm>>) target(%dma_start3A_163 : memref<32x1408xf32, #tpu.memory_space<vmem>>) offsets(%arg5 : memref<32xi32, #tpu.memory_space<vmem>>) semaphore(%dma_start3A_167 : memref<!tpu.dma_semaphore, #tpu.memory_space<semaphore_mem>>)
    }
    %scan3A_53 = arith.constant 69 : i32
    %rem3A = arith.constant 70 : i32
    %rem3A_54 = arith.constant 2 : i32
    %rem3A_55 = arith.remsi %rem3A, %rem3A_54 : i32
    %dma_wait3A_56 = arith.constant 0 : i32
    %dma_wait3A_57 = arith.constant 0 : i32
    %dma_wait3A_58 = tpu.memref_slice %arg6[%rem3A_55, %dma_wait3A_56, %dma_wait3A_57] : memref<2x32x1408xf32, #tpu.memory_space<vmem>> -> memref<1x32x1408xf32, #tpu.memory_space<vmem>>
    %dma_wait3A_59 = tpu.memref_squeeze %dma_wait3A_58 : memref<1x32x1408xf32, #tpu.memory_space<vmem>> -> memref<32x1408xf32, #tpu.memory_space<vmem>>
    %dma_wait3A_60 = arith.constant 0 : i32
    %dma_wait3A_61 = arith.constant 98560 : i32
    %dma_wait3A_62 = tpu.memref_slice %arg3[%dma_wait3A_60, %dma_wait3A_61] : memref<1000x100000xf32, #tpu.memory_space<hbm>> -> memref<1000x1408xf32, #tpu.memory_space<hbm>>
    %dma_wait3A_63 = tpu.memref_slice %arg7[%rem3A_55] : memref<2x!tpu.dma_semaphore, #tpu.memory_space<semaphore_mem>> -> memref<1x!tpu.dma_semaphore, #tpu.memory_space<semaphore_mem>>
    %dma_wait3A_64 = tpu.memref_squeeze %dma_wait3A_63 : memref<1x!tpu.dma_semaphore, #tpu.memory_space<semaphore_mem>> -> memref<!tpu.dma_semaphore, #tpu.memory_space<semaphore_mem>>
    tpu.wait_indirect_dma semaphore(%dma_wait3A_64 : memref<!tpu.dma_semaphore, #tpu.memory_space<semaphore_mem>>) src(%dma_wait3A_62 : memref<1000x1408xf32, #tpu.memory_space<hbm>>) dst(%dma_wait3A_59 : memref<32x1408xf32, #tpu.memory_space<vmem>>)
    %dma_start3A_65 = arith.constant 0 : i32
    %dma_start3A_66 = arith.constant 0 : i32
    %dma_start3A_67 = tpu.memref_slice %arg6[%rem3A_55, %dma_start3A_65, %dma_start3A_66] : memref<2x32x1408xf32, #tpu.memory_space<vmem>> -> memref<1x32x1408xf32, #tpu.memory_space<vmem>>
    %dma_start3A_68 = tpu.memref_squeeze %dma_start3A_67 : memref<1x32x1408xf32, #tpu.memory_space<vmem>> -> memref<32x1408xf32, #tpu.memory_space<vmem>>
    %dma_start3A_69 = arith.constant 98560 : i32
    %dma_start3A_70 = tpu.memref_slice %arg4[%mul3A_2, %dma_start3A_69] : memref<1024x100000xf32, #tpu.memory_space<hbm>> -> memref<32x1408xf32, #tpu.memory_space<hbm>>
    %dma_start3A_71 = tpu.memref_slice %arg8[%rem3A_55] : memref<2x!tpu.dma_semaphore, #tpu.memory_space<semaphore_mem>> -> memref<1x!tpu.dma_semaphore, #tpu.memory_space<semaphore_mem>>
    %dma_start3A_72 = tpu.memref_squeeze %dma_start3A_71 : memref<1x!tpu.dma_semaphore, #tpu.memory_space<semaphore_mem>> -> memref<!tpu.dma_semaphore, #tpu.memory_space<semaphore_mem>>
    %dma_start3A_73 = arith.constant 98560 : i32
    %dma_start3A_74 = tpu.memref_slice %arg4[%mul3A_2, %dma_start3A_73] : memref<1024x100000xf32, #tpu.memory_space<hbm>> -> memref<32x1408xf32, #tpu.memory_space<hbm>>
    %dma_start3A_75 = arith.constant 0 : i32
    %dma_start3A_76 = arith.constant 0 : i32
    %dma_start3A_77 = tpu.memref_slice %arg6[%rem3A_55, %dma_start3A_75, %dma_start3A_76] : memref<2x32x1408xf32, #tpu.memory_space<vmem>> -> memref<1x32x1408xf32, #tpu.memory_space<vmem>>
    %dma_start3A_78 = tpu.memref_squeeze %dma_start3A_77 : memref<1x32x1408xf32, #tpu.memory_space<vmem>> -> memref<32x1408xf32, #tpu.memory_space<vmem>>
    tpu.enqueue_dma source(%dma_start3A_78 : memref<32x1408xf32, #tpu.memory_space<vmem>>) target(%dma_start3A_74 : memref<32x1408xf32, #tpu.memory_space<hbm>>) target_semaphore(%dma_start3A_72 : memref<!tpu.dma_semaphore, #tpu.memory_space<semaphore_mem>>)
    %rem3A_79 = arith.constant 71 : i32
    %rem3A_80 = arith.constant 2 : i32
    %rem3A_81 = arith.remsi %rem3A_79, %rem3A_80 : i32
    %dma_wait3A_82 = arith.constant 0 : i32
    %dma_wait3A_83 = arith.constant 0 : i32
    %dma_wait3A_84 = tpu.memref_slice %arg6[%rem3A_81, %dma_wait3A_82, %dma_wait3A_83] : memref<2x32x1408xf32, #tpu.memory_space<vmem>> -> memref<1x32x1408xf32, #tpu.memory_space<vmem>>
    %dma_wait3A_85 = tpu.memref_squeeze %dma_wait3A_84 : memref<1x32x1408xf32, #tpu.memory_space<vmem>> -> memref<32x1408xf32, #tpu.memory_space<vmem>>
    %dma_wait3A_86 = arith.constant 97152 : i32
    %dma_wait3A_87 = tpu.memref_slice %arg4[%mul3A_2, %dma_wait3A_86] : memref<1024x100000xf32, #tpu.memory_space<hbm>> -> memref<32x1408xf32, #tpu.memory_space<hbm>>
    %dma_wait3A_88 = tpu.memref_slice %arg8[%rem3A_81] : memref<2x!tpu.dma_semaphore, #tpu.memory_space<semaphore_mem>> -> memref<1x!tpu.dma_semaphore, #tpu.memory_space<semaphore_mem>>
    %dma_wait3A_89 = tpu.memref_squeeze %dma_wait3A_88 : memref<1x!tpu.dma_semaphore, #tpu.memory_space<semaphore_mem>> -> memref<!tpu.dma_semaphore, #tpu.memory_space<semaphore_mem>>
    %dma_wait3A_90 = arith.constant 97152 : i32
    %dma_wait3A_91 = tpu.memref_slice %arg4[%mul3A_2, %dma_wait3A_90] : memref<1024x100000xf32, #tpu.memory_space<hbm>> -> memref<32x1408xf32, #tpu.memory_space<hbm>>
    %dma_wait3A_92 = arith.constant 0 : i32
    %dma_wait3A_93 = arith.constant 0 : i32
    %dma_wait3A_94 = tpu.memref_slice %arg6[%rem3A_81, %dma_wait3A_92, %dma_wait3A_93] : memref<2x32x1408xf32, #tpu.memory_space<vmem>> -> memref<1x32x1408xf32, #tpu.memory_space<vmem>>
    %dma_wait3A_95 = tpu.memref_squeeze %dma_wait3A_94 : memref<1x32x1408xf32, #tpu.memory_space<vmem>> -> memref<32x1408xf32, #tpu.memory_space<vmem>>
    tpu.wait_dma2 semaphore(%dma_wait3A_89 : memref<!tpu.dma_semaphore, #tpu.memory_space<semaphore_mem>>) src(%dma_wait3A_95 : memref<32x1408xf32, #tpu.memory_space<vmem>>) dst(%dma_wait3A_91 : memref<32x1408xf32, #tpu.memory_space<hbm>>)
    %dma_wait3A_96 = arith.constant 0 : i32
    %dma_wait3A_97 = arith.constant 0 : i32
    %dma_wait3A_98 = tpu.memref_slice %arg6[%rem3A_55, %dma_wait3A_96, %dma_wait3A_97] : memref<2x32x1408xf32, #tpu.memory_space<vmem>> -> memref<1x32x1408xf32, #tpu.memory_space<vmem>>
    %dma_wait3A_99 = tpu.memref_squeeze %dma_wait3A_98 : memref<1x32x1408xf32, #tpu.memory_space<vmem>> -> memref<32x1408xf32, #tpu.memory_space<vmem>>
    %dma_wait3A_100 = arith.constant 98560 : i32
    %dma_wait3A_101 = tpu.memref_slice %arg4[%mul3A_2, %dma_wait3A_100] : memref<1024x100000xf32, #tpu.memory_space<hbm>> -> memref<32x1408xf32, #tpu.memory_space<hbm>>
    %dma_wait3A_102 = tpu.memref_slice %arg8[%rem3A_55] : memref<2x!tpu.dma_semaphore, #tpu.memory_space<semaphore_mem>> -> memref<1x!tpu.dma_semaphore, #tpu.memory_space<semaphore_mem>>
    %dma_wait3A_103 = tpu.memref_squeeze %dma_wait3A_102 : memref<1x!tpu.dma_semaphore, #tpu.memory_space<semaphore_mem>> -> memref<!tpu.dma_semaphore, #tpu.memory_space<semaphore_mem>>
    %dma_wait3A_104 = arith.constant 98560 : i32
    %dma_wait3A_105 = tpu.memref_slice %arg4[%mul3A_2, %dma_wait3A_104] : memref<1024x100000xf32, #tpu.memory_space<hbm>> -> memref<32x1408xf32, #tpu.memory_space<hbm>>
    %dma_wait3A_106 = arith.constant 0 : i32
    %dma_wait3A_107 = arith.constant 0 : i32
    %dma_wait3A_108 = tpu.memref_slice %arg6[%rem3A_55, %dma_wait3A_106, %dma_wait3A_107] : memref<2x32x1408xf32, #tpu.memory_space<vmem>> -> memref<1x32x1408xf32, #tpu.memory_space<vmem>>
    %dma_wait3A_109 = tpu.memref_squeeze %dma_wait3A_108 : memref<1x32x1408xf32, #tpu.memory_space<vmem>> -> memref<32x1408xf32, #tpu.memory_space<vmem>>
    tpu.wait_dma2 semaphore(%dma_wait3A_103 : memref<!tpu.dma_semaphore, #tpu.memory_space<semaphore_mem>>) src(%dma_wait3A_109 : memref<32x1408xf32, #tpu.memory_space<vmem>>) dst(%dma_wait3A_105 : memref<32x1408xf32, #tpu.memory_space<hbm>>)
    return
  }
}

module attributes {stable_mosaic.version = 14 : i64} {
  func.func @tail_kernel(%arg0: i32, %arg1: memref<1024xi32, #tpu.memory_space<vmem>>, %arg2: memref<1000x128xf32, #tpu.memory_space<vmem>>, %arg3: memref<1024x100000xf32, #tpu.memory_space<any>>, %arg4: memref<1024x128xf32, #tpu.memory_space<vmem>>) attributes {dimension_semantics = [#tpu.dimension_semantics<arbitrary>], iteration_bounds = array<i64: 1>, scalar_prefetch = 0 : i64, scratch_operands = 0 : i64, tpu.core_type = #tpu.core_type<tc>, window_params = [{pipeline_mode = #tpu.pipeline_mode<synchronous>, transform_indices = @transform_0, window_bounds = array<i64: 1024>}, {transform_indices = @transform_1, window_bounds = array<i64: 1000, 128>}, {}, {transform_indices = @transform_3, window_bounds = array<i64: 1024, 128>}]} {
    %get3A = arith.constant 0 : index
    %get3A_0 = vector.load %arg1[%get3A] : memref<1024xi32, #tpu.memory_space<vmem>>, vector<1024xi32>
    %broadcast_in_dim3A = vector.shape_cast %get3A_0 : vector<1024xi32> to vector<1024x1xi32>
    %iota3A = tpu.iota {dimensions = array<i32: 1>} : vector<1024x1000xi32>
    %eq3A = vector.broadcast %broadcast_in_dim3A : vector<1024x1xi32> to vector<1024x1000xi32>
    %eq3A_1 = arith.cmpi eq, %eq3A, %iota3A : vector<1024x1000xi32>
    %convert_element_type3A = arith.extui %eq3A_1 : vector<1024x1000xi1> to vector<1024x1000xi32>
    %convert_element_type3A_2 = arith.sitofp %convert_element_type3A : vector<1024x1000xi32> to vector<1024x1000xf32>
    %get3A_3 = arith.constant 0 : index
    %get3A_4 = arith.constant 0 : index
    %get3A_5 = vector.load %arg2[%get3A_3, %get3A_4] : memref<1000x128xf32, #tpu.memory_space<vmem>>, vector<1000x128xf32>
    %dot_general3A = arith.constant dense<0.000000e+00> : vector<1024x128xf32>
    %dot_general3A_6 = tpu.matmul %convert_element_type3A_2, %get3A_5, %dot_general3A {dimension_numbers = #tpu.dot_dimension_numbers<[1], [0], [0], [1], [0, 0, 1, 1], [], []>, transpose_lhs_hint = false} : vector<1024x1000xf32>, vector<1000x128xf32>, vector<1024x128xf32> -> vector<1024x128xf32>
    %swap3A = arith.constant 0 : index
    %swap3A_7 = arith.constant 0 : index
    %swap3A_8 = vector.load %arg4[%swap3A, %swap3A_7] : memref<1024x128xf32, #tpu.memory_space<vmem>>, vector<1024x128xf32>
    tpu.vector_store %arg4[%swap3A, %swap3A_7], %dot_general3A_6 {strides = array<i32>} : memref<1024x128xf32, #tpu.memory_space<vmem>>, vector<1024x128xf32>,
    return
  }
  func.func @transform_0(%arg0: i32) -> i32 {
    %c0_i32 = arith.constant 0 : i32
    %c0_i32_0 = arith.constant 0 : i32
    return %c0_i32 : i32
  }
  func.func @transform_1(%arg0: i32) -> (i32, i32) {
    %c0_i32 = arith.constant 0 : i32
    %c781_i32 = arith.constant 781 : i32
    %c0_i32_0 = arith.constant 0 : i32
    return %c0_i32, %c781_i32 : i32, i32
  }
  func.func @transform_3(%arg0: i32) -> (i32, i32) {
    %c0_i32 = arith.constant 0 : i32
    %c781_i32 = arith.constant 781 : i32
    %c0_i32_0 = arith.constant 0 : i32
    return %c0_i32, %c781_i32 : i32, i32
  }
}

</mosaic_0001>

<sc_bundles>
// kernel: kernel.4.cloned.1.call-start
scs
__scs_entry_jumppad:
0x0: {  	(pc) =	sbr.rel $0x88, $3  }
0x1: {  	(tag) =	ssettag $0x0;
	lr =	simm.s32 $0x1  }
0x2: {  	[smem:$0x3F9F] =	sst lr;
	_ =	strace $0xD0000000  }
0x3: {  	_ = 	snop  }
0x4: {  	_ = 	snop  }
0x5: {  	_ = 	snop  }
0x6: {  	_ = 	snop  }
0x7: {  	_ = 	snop  }
__scs_overlays_trampoline_lowered:
0x8: {  	[smem:$0x3FAE] =	sst s0  }
0x9: {  	[smem:$0x3FAF] =	sst s1  }
0xa: {  	[smem:$0x3FB0] =	sst s2  }
0xb: {  	[smem:$0x3FB1] =	sst s3  }
0xc: {  	[smem:$0x3FB2] =	sst s4  }
0xd: {  	[smem:$0x3FB3] =	sst s5  }
0xe: {  	[smem:$0x3FB4] =	sst s6  }
0xf: {  	[smem:$0x3FB5] =	sst s7  }
0x10: {  	[smem:$0x3FB6] =	sst s8  }
0x11: {  	[smem:$0x3FB7] =	sst s9;
	s0 =	simm.s32 @!p0 $0x0  }
0x12: {  	s1 =	sld [smem:$0x3F9D];
	s0 =	simm.s32 @p0 $0x1  }
0x13: {  	[smem:$0x3FB8] =	sst s0;
	s0 =	simm.s32 @!p1 $0x0  }
0x14: {  	s2 =	sld [smem:$0x3F9C];
	s0 =	simm.s32 @p1 $0x1  }
0x15: {  	[smem:$0x3FB9] =	sst s0;
	s0 =	simm.s32 @!p2 $0x0  }
0x16: {  	s3 =	sld [smem:$0x3FDB];
	s0 =	simm.s32 @p2 $0x1  }
0x17: {  	s4 =	simm.s32 $0x1BF5;
	[smem:$0x3FBB] =	sst s0  }
0x18: {  	s0 =	sld [smem:$0x3F9E];
	_ =	swait.ge [sflag:s4], $0x0  }
0x19: {  	s7 =	sld [smem:$0x3F9F]  }
0x1a: {  	s8 =	sadd.s32 $0xFFFFE003, lr  }
0x1b: {  	s9 =	sadd.s32 $0xFFFFFEF7, lr;
	s5 =	simm.s32 $0xFFFFFFFF;
	p2 =	slt.u32 s8, $0xFFFFF086  }
0x1c: {  	p1 =	slt.u32 s9, $0xF7A;
	s5 =	simm.s32 @!p2 $0x0  }
0x1d: {  	s5 =	simm.s32 @p1 $0x1;
	p0 =	seq.s32 s7, s2  }
0x1e: {  	s7 =	smul.u32 @!p0 $0xF7A, s2;
	p2 =	seq.s32 @!p0 s5, $0x0  }
0x1f: {  	s9 =	smul.u32 $0xF7A, s1;
	s8 =	simm.s32 @!p0 $0x1BF5;
	p2 =	por !p2, p0  }
0x20: {  	[sflag:s8] =	ssyncset.s32 @!p0 $0xFFFFF086;
	s6 =	sadd.s32 @!p0 s3, s7;
	s7 =	simm.s32 @!p0 $0x108  }
0x21: {  	s3 =	sadd.s32 s3, s9;
	s6 =	sadd.s32 @!p0 $0x88, s6;
	s7 =	simm.s32 @p2 $0x1082  }
0x22: {  	[simem:s7], [sflag:s8] =	dma.local @!p0 [hbm:s6], $0xF7A  }
0x23: {  	s9 =	sor.u32 $0xD0000000, s2;
	s6 =	simm.s32 $0x108;
	_ =	swait.ge @!p0 [sflag:s8], $0x0  }
0x24: {  	s3 =	sadd.s32 $0x88, s3;
	s6 =	simm.s32 @!p1 $0x1082;
	[sflag:s4] =	ssyncset.s32 $0xFFFFF086  }
0x25: {  	[simem:s6], [sflag:s4] =	dma.local [hbm:s3], $0xF7A  }
0x26: {  	[smem:$0x3F9F] =	sst s1;
	(tag) =	ssettag s2;
	_ =	strace s9  }
0x27: {  	s1 =	sld [smem:$0x3FAF]  }
0x28: {  	s2 =	sld [smem:$0x3FB0]  }
0x29: {  	s4 =	sld [smem:$0x3FB2]  }
0x2a: {  	p0 =	seq.s32 s5, $0x0;
	s5 =	sld [smem:$0x3FB3]  }
0x2b: {  	s6 =	sld [smem:$0x3FB4]  }
0x2c: {  	s7 =	sld [smem:$0x3FB5]  }
0x2d: {  	s3 =	simm.s32 $0x108;
	s8 =	sld [smem:$0x3FB6]  }
0x2e: {  	s3 =	simm.s32 @!p0 $0x1082;
	s9 =	sld [smem:$0x3FB7]  }
0x2f: {  	lr =	sadd.s32 s0, s3;
	s0 =	sld [smem:$0x3FAE]  }
0x30: {  	s3 =	sld [smem:$0x3FB1]  }
0x31: {  	[smem:$0x3FBA] =	sst s10  }
0x32: {  	s10 =	sld [smem:$0x3FB8];
	_ =	sdelay $0x3  }
0x33: {  	p0 =	seq.s32 s10, $0x1;
	s10 =	sld [smem:$0x3FBA];
	_ =	sdelay $0x3  }
0x34: {  	[smem:$0x3FBA] =	sst s10  }
0x35: {  	s10 =	sld [smem:$0x3FB9];
	_ =	sdelay $0x3  }
0x36: {  	p1 =	seq.s32 s10, $0x1;
	s10 =	sld [smem:$0x3FBA];
	_ =	sdelay $0x3  }
0x37: {  	[smem:$0x3FBA] =	sst s10  }
0x38: {  	s10 =	sld [smem:$0x3FBB]  }
0x39: {  	_ = 	snop;
	(pc) =	sbr.ind lr, $3  }
0x3a: {  	_ = 	snop  }
0x3b: {  	_ = 	snop  }
0x3c: {  	p2 =	seq.s32 s10, $0x1;
	s10 =	sld [smem:$0x3FBA]  }
0x3d: {  	_ =	shalt  }
0x3e: {  	_ =	shalt  }
0x3f: {  	_ =	shalt  }
0x40: {  	_ =	shalt  }
0x41: {  	_ =	shalt  }
0x42: {  	_ =	shalt  }
0x43: {  	_ =	shalt  }
0x44: {  	_ =	shalt  }
0x45: {  	_ =	shalt  }
0x46: {  	_ =	shalt  }
0x47: {  	_ =	shalt  }
0x48: {  	_ =	shalt  }
0x49: {  	_ =	shalt  }
0x4a: {  	_ =	shalt  }
0x4b: {  	_ =	shalt  }
0x4c: {  	_ =	shalt  }
0x4d: {  	_ =	shalt  }
0x4e: {  	_ =	shalt  }
0x4f: {  	_ =	shalt  }
0x50: {  	_ =	shalt  }
0x51: {  	_ =	shalt  }
0x52: {  	_ =	shalt  }
0x53: {  	_ =	shalt  }
0x54: {  	_ =	shalt  }
0x55: {  	_ =	shalt  }
0x56: {  	_ =	shalt  }
0x57: {  	_ =	shalt  }
0x58: {  	_ =	shalt  }
0x59: {  	_ =	shalt  }
0x5a: {  	_ =	shalt  }
0x5b: {  	_ =	shalt  }
0x5c: {  	_ =	shalt  }
0x5d: {  	_ =	shalt  }
0x5e: {  	_ =	shalt  }
0x5f: {  	_ =	shalt  }
0x60: {  	_ =	shalt  }
0x61: {  	_ =	shalt  }
0x62: {  	_ =	shalt  }
0x63: {  	_ =	shalt  }
0x64: {  	_ =	shalt  }
0x65: {  	_ =	shalt  }
0x66: {  	_ =	shalt  }
0x67: {  	_ =	shalt  }
0x68: {  	_ =	shalt  }
0x69: {  	_ =	shalt  }
0x6a: {  	_ =	shalt  }
0x6b: {  	_ =	shalt  }
0x6c: {  	_ =	shalt  }
0x6d: {  	_ =	shalt  }
0x6e: {  	_ =	shalt  }
0x6f: {  	_ =	shalt  }
0x70: {  	_ =	shalt  }
0x71: {  	_ =	shalt  }
0x72: {  	_ =	shalt  }
0x73: {  	_ =	shalt  }
0x74: {  	_ =	shalt  }
0x75: {  	_ =	shalt  }
0x76: {  	_ =	shalt  }
0x77: {  	_ =	shalt  }
0x78: {  	_ =	shalt  }
0x79: {  	_ =	shalt  }
0x7a: {  	_ =	shalt  }
0x7b: {  	_ =	shalt  }
0x7c: {  	_ =	shalt  }
0x7d: {  	_ =	shalt  }
0x7e: {  	_ =	shalt  }
0x7f: {  	_ =	shalt  }
0x80: {  	_ =	shalt  }
0x81: {  	_ =	shalt  }
0x82: {  	_ =	shalt  }
0x83: {  	_ =	shalt  }
0x84: {  	_ =	shalt  }
0x85: {  	_ =	shalt  }
0x86: {  	_ =	shalt  }
0x87: {  	_ =	shalt  }
.Lfunc_end0:
.L_simem_size_0:
called_computation.1_lowered:
.L_overlay_start_0:
0x88: {  	s2 =	sld [smem:$0x3FD9]  }
0x89: {  	s3 =	sld [smem:$0x3FFE];
	_ =	sdelay $0x1  }
0x8a: {  	s1 =	srdreg.scid  }
0x8b: {  	s0 =	sand.u32 $0x1, s1  }
0x8c: {  	s17 =	sshll.u32 s0, $0xA;
	s2 =	sadd.s32 s3, s2  }
0x8d: {  	s2 =	sadd.s32 s2, s17  }
0x8e: {  	[smem:$0x3FC6] =	sst s2  }
0x8f: {  	_ = 	snop  }
0x90: {  	s2 =	sld [smem:$0x3FC9]  }
0x91: {  	s18 =	sld [smem:$0x3FC8];
	(tm) =	ssettm $0x1  }
0x92: {  	s4 =	sld [smem:$0x3FFB];
	_ =	sdelay $0x3  }
0x93: {  	_ =	strace s4  }
0x94: {  	s4 =	sld [smem:$0x3FFC];
	_ =	sdelay $0x3  }
0x95: {  	_ =	strace s4  }
0x96: {  	s4 =	sld [smem:$0x3FFD];
	_ =	sdelay $0x3  }
0x97: {  	_ =	strace s4  }
0x98: {  	_ =	strace $0x8FFFFFFF  }
0x99: {  	s19 =	sld [smem:$0x3FDB];
	_ =	sdelay $0x1  }
0x9a: {  	s5 =	simm.s32 $_scs_section_size  }
0x9b: {  	s6 =	simm.s32 $_size__tile_overlayer_lowered;
	s7 =	simm.s32 $_tile_overlayer_lowered  }
0x9c: {  	s22 =	simm.s32 $0x1BFF;
	s21 =	sshll.u32 s7, $0x1;
	s4 =	sadd.s32 s5, s19  }
0x9d: {  	s8 =	simm.s32 $0x0;
	s20 =	sshll.u32 s6, $0x1;
	s6 =	sadd.s32 s21, s4  }
0x9e: {  	[timem:s8], [sflag:s22] =	dma.local [hbm:s6], s20  }
0x9f: {  	_ =	swait.ge [sflag:s22], s20  }
0xa0: {  	s5 =	ssub.s32 $0x0, s20;
	[sflag:s22] =	ssyncset.done $0x0  }
0xa1: {  	[sflag:s22] =	ssyncadd.s32 s5;
	_ =	sdelay $0x1  }
0xa2: {  	s23 =	simm.s32 $0x1B8B  }
0xa3: {  	_ =	swait.ge [sflag:s23], $0x1  }
0xa4: {  	[sflag:s23] =	ssyncset.done $0x0  }
0xa5: {  	s25 =	simm.s32 $0x1B8E;
	s24 =	sld [smem:$0x3FFE];
	[sflag:s23] =	ssyncadd.s32 $0xFFFFFFFF  }
0xa6: {  	s26 =	simm.s32 $execute0_lowered;
	[smem:$0x3FD2] =	sst s25  }
0xa7: {  	s6 =	sshll.u32 s26, $0x1;
	_ =	strace $0x80000046;
	[dreg:$0x1] =	wrdreg $0xFFFFFFFF  }
0xa8: {  	s28 =	simm.s32 $_size_execute0_lowered;
	s4 =	sadd.s32 s4, s6;
	[dreg:$0x0] =	wrdreg $0x0  }
0xa9: {  	s6 =	sshll.u32 s28, $0x1;
	[dreg:$0x2] =	wrdreg s4  }
0xaa: {  	[dreg:$0x3] =	wrdreg s6  }
0xab: {  	[dreg:$0x4] =	wrdreg $0xC0  }
0xac: {  	_ =	task [dreg:s8], $0x5FFFF  }
0xad: {  	[dreg:$0x1] =	wrdreg $0xFFFFFFFF  }
0xae: {  	[dreg:$0x0] =	wrdreg $0x60  }
0xaf: {  	[dreg:$0x2] =	wrdreg s2  }
0xb0: {  	[dreg:$0x3] =	wrdreg s18  }
0xb1: {  	[dreg:$0x4] =	wrdreg s24  }
0xb2: {  	[dreg:$0x5] =	wrdreg $0x9  }
0xb3: {  	_ =	task.clear_ibuf [dreg:s8], $0x6FFFF;
	_ =	strace $0x90000046  }
0xb4: {  	s29 =	simm.s32 $0x9;
	_ =	strace $0x80000048  }
0xb5: {  	_ =	swait.ge [sflag:s29], $0x1  }
0xb6: {  	[sflag:s29] =	ssyncadd.s32 $0xFFFFFFFF  }
0xb7: {  	_ =	strace $0x90000048  }
0xb8: {  	_ =	sfence  }
0xb9: {  	s30 =	sld [smem:$0x0];
	_ =	sdelay $0x2  }
0xba: {  	s31 =	sshll.u32 s1, $0xD;
	s1 =	sshrl.u32 s1, $0x2  }
0xbb: {  	s3 =	sand.u32 $0x4000, s31;
	s1 =	sadd.s32 s1, s30  }
0xbc: {  	s0 =	sor.u32 s3, s0;
	s1 =	sshll.u32 s1, $0x11  }
0xbd: {  	s0 =	sor.u32 s1, s0  }
0xbe: {  	s0 =	sadd.s32 $0x8F2B, s0  }
0xbf: {  	[sflag:s0] =	ssyncadd.remote.s32 $0x1  }
0xc0: {  	_ =	sfence.sel $0xFFFF  }
0xc1: {  	[dreg:$0x0] =	wrdreg $0xFFFFFFFF;
	(pc) =	sbr.abs _section_cstart, $3  }
0xc2: {  	[dreg:$0x1] =	wrdreg $0xFFFFFFFF  }
0xc3: {  	_ =	task.clear_ibuf [dreg:s8], $0x2FFFF;
	_ =	strace $0x9FFFFFFF  }
0xc4: {  	(tm) =	ssettm $0x7FFFFFFF  }
0xc5: {  	_ =	shalt  }
tec
execute0_lowered:
.L_overlay_start_1:
0x0: {  	(tag) =	ssettag $0x1  }
0x1: {  	s0 =	rddreg [dreg:$0x0]  }
0x2: {  	s1 =	rddreg [dreg:$0x1]  }
0x3: {  	s3 =	rddreg [dreg:$0x2];
	s2 =	simm.s32 $0x0;
	s4 =	srdreg.scid  }
0x4: {  	s10 =	stileid.u32;
	s18 =	simm.s32 $0x80;
	s28 =	simm.s32 $0x4  }
0x5: {  	s29 =	simm.s32 $0x3;
	s30 =	simm.s32 $0x0;
	[smem:$0x7FF] =	sst s2  }
0x6: {  	s5 =	sand.u32 $0x1, s4;
	s8 =	sshll.u32 s10, $0x3;
	s4 =	sadd.s32 $0xA00, s3  }
0x7: {  	s12 =	smul.u32 $0x61C000, s10;
	s10 =	sadd.s32 $0x500, s1;
	s11 =	sadd.s32 $0x580, s1  }
0x8: {  	s16 =	sadd.s32 $0xB00, s1;
	_ =	strace $0x80000047;
	s6 =	ssub.s32 $0x2, s5  }
0x9: {  	s9 =	sshll.u32 s5, $0x2;
	s5 =	smul.u32 $0x30E000, s5;
	s7 =	sshrl.u32 s6, $0x1  }
0xa: {  	s24 =	sor.u32 s9, s8;
	s8 =	sadd.s32 $0x300, s1;
	s9 =	sadd.s32 $0x400, s1  }
0xb: {  	s23 =	ssub.s32 s6, s7;
	s0 =	sadd.s32 s0, s24;
	s25 =	smul.u32 $0xC3800, s24  }
0xc: {  	s6 =	sadd.s32 $0x100, s1;
	s7 =	sadd.s32 $0x200, s1;
	s31 =	sadd.s32 s5, s12  }
0xd: {  	[dreg:$0x4] =	wrdreg s0;
	s26 =	smax.u32 s23, $0x1;
	s0 =	sshrl.u32 s25, $0x3  }
0xe: {  	v2 =	vlaneseq.u32;
	s24 =	simm.s32 $0x1;
	[dreg:$0x7] =	wrdreg s26;
	s0 =	sadd.s32 s4, s0  }
0xf: {  	vm0 =	vmmov $0xffff;
	vm1 =	vmmov $0xff;
	v1 =	vshrl.u32 v2, $0x3;
	s3 =	sadd.s32 $0x2C00, s31;
	[dreg:$0x5] =	wrdreg s0;
	s0 =	sadd.s32 $0x18100, s0  }
0x10: {  	v0 =	vand.u32 $0x7, v2;
	v2 =	vor.u32 $0x8, v2;
	v1 =	vmul.u32 $0x8, v1;
	s25 =	simm.s32 $0x2C00;
	s26 =	simm.s32 $0xC3800;
	[dreg:$0x6] =	wrdreg s0  }
.LBB2_1:
0x11: {  	s0 =	rddreg [dreg:$0x4];
	s17 =	simm.s32 $0x5  }
0x12: {  	[tilespmem:s2], [sflag:$0x5] =	stream.linear.gather [hbm4b:s0+s2], $0x20, $0x38;
	[tilespmem:$0x16080] =	vst v63  }
0x13: {  	_ =	swait.ge [sflag:s17], $0x20  }
0x14: {  	[sflag:s17] =	ssyncset.done $0x0  }
0x15: {  	[sflag:s17] =	ssyncadd.s32 $0xFFFFFFE0  }
0x16: {  	v3 =	vld [tilespmem:$0x0];
	_ =	sdelay $0x4  }
0x17: {  	v4 =	vshrl.u32 v3, $0x3  }
0x18: {  	v4 =	vmul.u32 $0x1870, v4  }
0x19: {  	v3 =	vand.u32 $0x7, v3  }
0x1a: {  	v3 =	vor.u32 v3, v4  }
0x1b: {  	v4 =	vperm.xlane v3, v0;
	_ =	sdelay $0x1  }
0x1c: {  	v4 =	vadd.s32 v1, v4;
	_ =	sdelay $0x4  }
0x1d: {  	[tilespmem:s18], [sflag:$0x1] =	stream.indirect_vreg.gather [hbm4b:s1+s2], $0x80, v4, vm0, $0xb8;
	[tilespmem:$0x16080] =	vst v63  }
0x1e: {  	s19 =	simm.s32 $0x880  }
0x1f: {  	[tilespmem:s19], [sflag:$0x1] =	stream.indirect_vreg.gather [hbm4b:s6+s2], $0x80, v4, vm0, $0xb8;
	[tilespmem:$0x16080] =	vst v63  }
0x20: {  	s20 =	simm.s32 $0x1080  }
0x21: {  	[tilespmem:s20], [sflag:$0x1] =	stream.indirect_vreg.gather [hbm4b:s7+s2], $0x80, v4, vm0, $0xb8;
	[tilespmem:$0x16080] =	vst v63  }
0x22: {  	s21 =	simm.s32 $0x1880;
	v3 =	vperm.xlane v3, v2  }
0x23: {  	[tilespmem:s21], [sflag:$0x1] =	stream.indirect_vreg.gather [hbm4b:s8+s2], $0x80, v4, vm0, $0xb8;
	[tilespmem:$0x16080] =	vst v63  }
0x24: {  	s22 =	simm.s32 $0x2080;
	v3 =	vadd.s32 v1, v3  }
0x25: {  	[tilespmem:s22], [sflag:$0x1] =	stream.indirect_vreg.gather [hbm4b:s9+s2], $0x80, v4, vm0, $0xb8;
	[tilespmem:$0x16080] =	vst v63  }
0x26: {  	s23 =	simm.s32 $0x2880  }
0x27: {  	[tilespmem:s23], [sflag:$0x1] =	stream.indirect_vreg.gather [hbm4b:s10+s2], $0x80, v4, vm1, $0xb8;
	[tilespmem:$0x16080] =	vst v63  }
0x28: {  	s5 =	simm.s32 $0x2C80  }
0x29: {  	[tilespmem:s5], [sflag:$0x1] =	stream.indirect_vreg.gather [hbm4b:s1+s2], $0x80, v3, vm0, $0xb8;
	[tilespmem:$0x16080] =	vst v63  }
0x2a: {  	s12 =	simm.s32 $0x3480  }
0x2b: {  	[tilespmem:s12], [sflag:$0x1] =	stream.indirect_vreg.gather [hbm4b:s6+s2], $0x80, v3, vm0, $0xb8;
	[tilespmem:$0x16080] =	vst v63  }
0x2c: {  	s13 =	simm.s32 $0x3C80  }
0x2d: {  	[tilespmem:s13], [sflag:$0x1] =	stream.indirect_vreg.gather [hbm4b:s7+s2], $0x80, v3, vm0, $0xb8;
	[tilespmem:$0x16080] =	vst v63  }
0x2e: {  	s14 =	simm.s32 $0x4480  }
0x2f: {  	[tilespmem:s14], [sflag:$0x1] =	stream.indirect_vreg.gather [hbm4b:s8+s2], $0x80, v3, vm0, $0xb8;
	[tilespmem:$0x16080] =	vst v63  }
0x30: {  	s15 =	simm.s32 $0x4C80  }
0x31: {  	[tilespmem:s15], [sflag:$0x1] =	stream.indirect_vreg.gather [hbm4b:s9+s2], $0x80, v3, vm0, $0xb8;
	[tilespmem:$0x16080] =	vst v63  }
0x32: {  	s17 =	simm.s32 $0x5480  }
0x33: {  	[tilespmem:s17], [sflag:$0x1] =	stream.indirect_vreg.gather [hbm4b:s10+s2], $0x80, v3, vm1, $0xb8;
	[tilespmem:$0x16080] =	vst v63  }
0x34: {  	v3 =	vld [tilespmem:$0x10];
	_ =	sdelay $0x4  }
0x35: {  	v4 =	vshrl.u32 v3, $0x3  }
0x36: {  	v4 =	vmul.u32 $0x1870, v4  }
0x37: {  	v3 =	vand.u32 $0x7, v3  }
0x38: {  	v3 =	vor.u32 v3, v4  }
0x39: {  	v4 =	vperm.xlane v3, v0;
	_ =	sdelay $0x1  }
0x3a: {  	v4 =	vadd.s32 v1, v4;
	_ =	sdelay $0x3  }
0x3b: {  	s19 =	simm.s32 $0x5880  }
0x3c: {  	[tilespmem:s19], [sflag:$0x1] =	stream.indirect_vreg.gather [hbm4b:s1+s2], $0x80, v4, vm0, $0xb8;
	[tilespmem:$0x16080] =	vst v63  }
0x3d: {  	s20 =	simm.s32 $0x6080  }
0x3e: {  	[tilespmem:s20], [sflag:$0x1] =	stream.indirect_vreg.gather [hbm4b:s6+s2], $0x80, v4, vm0, $0xb8;
	[tilespmem:$0x16080] =	vst v63  }
0x3f: {  	s21 =	simm.s32 $0x6880  }
0x40: {  	[tilespmem:s21], [sflag:$0x1] =	stream.indirect_vreg.gather [hbm4b:s7+s2], $0x80, v4, vm0, $0xb8;
	[tilespmem:$0x16080] =	vst v63  }
0x41: {  	s22 =	simm.s32 $0x7080;
	v3 =	vperm.xlane v3, v2  }
0x42: {  	[tilespmem:s22], [sflag:$0x1] =	stream.indirect_vreg.gather [hbm4b:s8+s2], $0x80, v4, vm0, $0xb8;
	[tilespmem:$0x16080] =	vst v63  }
0x43: {  	s23 =	simm.s32 $0x7880;
	v3 =	vadd.s32 v1, v3  }
0x44: {  	[tilespmem:s23], [sflag:$0x1] =	stream.indirect_vreg.gather [hbm4b:s9+s2], $0x80, v4, vm0, $0xb8;
	[tilespmem:$0x16080] =	vst v63  }
0x45: {  	s5 =	simm.s32 $0x8080  }
0x46: {  	[tilespmem:s5], [sflag:$0x1] =	stream.indirect_vreg.gather [hbm4b:s10+s2], $0x80, v4, vm1, $0xb8;
	[tilespmem:$0x16080] =	vst v63  }
0x47: {  	s12 =	simm.s32 $0x8480  }
0x48: {  	[tilespmem:s12], [sflag:$0x1] =	stream.indirect_vreg.gather [hbm4b:s1+s2], $0x80, v3, vm0, $0xb8;
	[tilespmem:$0x16080] =	vst v63  }
0x49: {  	s13 =	simm.s32 $0x8C80  }
0x4a: {  	[tilespmem:s13], [sflag:$0x1] =	stream.indirect_vreg.gather [hbm4b:s6+s2], $0x80, v3, vm0, $0xb8;
	[tilespmem:$0x16080] =	vst v63  }
0x4b: {  	s14 =	simm.s32 $0x9480  }
0x4c: {  	[tilespmem:s14], [sflag:$0x1] =	stream.indirect_vreg.gather [hbm4b:s7+s2], $0x80, v3, vm0, $0xb8;
	[tilespmem:$0x16080] =	vst v63  }
0x4d: {  	s15 =	simm.s32 $0x9C80  }
0x4e: {  	[tilespmem:s15], [sflag:$0x1] =	stream.indirect_vreg.gather [hbm4b:s8+s2], $0x80, v3, vm0, $0xb8;
	[tilespmem:$0x16080] =	vst v63  }
0x4f: {  	s17 =	simm.s32 $0xA480  }
0x50: {  	[tilespmem:s17], [sflag:$0x1] =	stream.indirect_vreg.gather [hbm4b:s9+s2], $0x80, v3, vm0, $0xb8;
	[tilespmem:$0x16080] =	vst v63  }
0x51: {  	s19 =	simm.s32 $0xAC80  }
0x52: {  	[tilespmem:s19], [sflag:$0x1] =	stream.indirect_vreg.gather [hbm4b:s10+s2], $0x80, v3, vm1, $0xb8;
	[tilespmem:$0x16080] =	vst v63  }
0x53: {  	v3 =	vld [tilespmem:$0x0];
	_ =	sdelay $0x4  }
0x54: {  	v4 =	vshrl.u32 v3, $0x3  }
0x55: {  	v4 =	vmul.u32 $0x1870, v4  }
0x56: {  	v3 =	vand.u32 $0x7, v3  }
0x57: {  	v3 =	vor.u32 v3, v4  }
0x58: {  	v4 =	vperm.xlane v3, v0;
	_ =	sdelay $0x1  }
0x59: {  	v4 =	vadd.s32 v1, v4;
	_ =	sdelay $0x3  }
0x5a: {  	s20 =	simm.s32 $0xB080  }
0x5b: {  	[tilespmem:s20], [sflag:$0x2] =	stream.indirect_vreg.gather [hbm4b:s11+s2], $0x80, v4, vm0, $0xb8;
	[tilespmem:$0x16080] =	vst v63  }
0x5c: {  	s0 =	sadd.s32 $0x100, s11;
	s5 =	simm.s32 $0xB880  }
0x5d: {  	[tilespmem:s5], [sflag:$0x2] =	stream.indirect_vreg.gather [hbm4b:s0+s2], $0x80, v4, vm0, $0xb8;
	[tilespmem:$0x16080] =	vst v63  }
0x5e: {  	s12 =	simm.s32 $0xC080;
	s5 =	sadd.s32 $0x200, s11  }
0x5f: {  	[tilespmem:s12], [sflag:$0x2] =	stream.indirect_vreg.gather [hbm4b:s5+s2], $0x80, v4, vm0, $0xb8;
	[tilespmem:$0x16080] =	vst v63  }
0x60: {  	s13 =	simm.s32 $0xC880;
	v3 =	vperm.xlane v3, v2;
	s12 =	sadd.s32 $0x300, s11  }
0x61: {  	[tilespmem:s13], [sflag:$0x2] =	stream.indirect_vreg.gather [hbm4b:s12+s2], $0x80, v4, vm0, $0xb8;
	[tilespmem:$0x16080] =	vst v63  }
0x62: {  	s14 =	simm.s32 $0xD080;
	v3 =	vadd.s32 v1, v3;
	s13 =	sadd.s32 $0x400, s11  }
0x63: {  	[tilespmem:s14], [sflag:$0x2] =	stream.indirect_vreg.gather [hbm4b:s13+s2], $0x80, v4, vm0, $0xb8;
	[tilespmem:$0x16080] =	vst v63  }
0x64: {  	s15 =	simm.s32 $0xD880;
	s14 =	sadd.s32 $0x500, s11  }
0x65: {  	[tilespmem:s15], [sflag:$0x2] =	stream.indirect_vreg.gather [hbm4b:s14+s2], $0x80, v4, vm1, $0xb8;
	[tilespmem:$0x16080] =	vst v63  }
0x66: {  	s21 =	simm.s32 $0xDC80  }
0x67: {  	[tilespmem:s21], [sflag:$0x2] =	stream.indirect_vreg.gather [hbm4b:s11+s2], $0x80, v3, vm0, $0xb8;
	[tilespmem:$0x16080] =	vst v63  }
0x68: {  	s22 =	simm.s32 $0xE480  }
0x69: {  	[tilespmem:s22], [sflag:$0x2] =	stream.indirect_vreg.gather [hbm4b:s0+s2], $0x80, v3, vm0, $0xb8;
	[tilespmem:$0x16080] =	vst v63  }
0x6a: {  	s23 =	simm.s32 $0xEC80  }
0x6b: {  	[tilespmem:s23], [sflag:$0x2] =	stream.indirect_vreg.gather [hbm4b:s5+s2], $0x80, v3, vm0, $0xb8;
	[tilespmem:$0x16080] =	vst v63  }
0x6c: {  	s17 =	simm.s32 $0xF480  }
0x6d: {  	[tilespmem:s17], [sflag:$0x2] =	stream.indirect_vreg.gather [hbm4b:s12+s2], $0x80, v3, vm0, $0xb8;
	[tilespmem:$0x16080] =	vst v63  }
0x6e: {  	s19 =	simm.s32 $0xFC80  }
0x6f: {  	[tilespmem:s19], [sflag:$0x2] =	stream.indirect_vreg.gather [hbm4b:s13+s2], $0x80, v3, vm0, $0xb8;
	[tilespmem:$0x16080] =	vst v63  }
0x70: {  	s20 =	simm.s32 $0x10480  }
0x71: {  	[tilespmem:s20], [sflag:$0x2] =	stream.indirect_vreg.gather [hbm4b:s14+s2], $0x80, v3, vm1, $0xb8;
	[tilespmem:$0x16080] =	vst v63  }
0x72: {  	v3 =	vld [tilespmem:$0x10];
	_ =	sdelay $0x4  }
0x73: {  	v4 =	vshrl.u32 v3, $0x3  }
0x74: {  	v4 =	vmul.u32 $0x1870, v4  }
0x75: {  	v3 =	vand.u32 $0x7, v3  }
0x76: {  	v3 =	vor.u32 v3, v4  }
0x77: {  	v4 =	vperm.xlane v3, v0;
	_ =	sdelay $0x1  }
0x78: {  	v4 =	vadd.s32 v1, v4;
	_ =	sdelay $0x3  }
0x79: {  	s21 =	simm.s32 $0x10880  }
0x7a: {  	[tilespmem:s21], [sflag:$0x2] =	stream.indirect_vreg.gather [hbm4b:s11+s2], $0x80, v4, vm0, $0xb8;
	[tilespmem:$0x16080] =	vst v63  }
0x7b: {  	s22 =	simm.s32 $0x11080  }
0x7c: {  	[tilespmem:s22], [sflag:$0x2] =	stream.indirect_vreg.gather [hbm4b:s0+s2], $0x80, v4, vm0, $0xb8;
	[tilespmem:$0x16080] =	vst v63  }
0x7d: {  	s23 =	simm.s32 $0x11880  }
0x7e: {  	[tilespmem:s23], [sflag:$0x2] =	stream.indirect_vreg.gather [hbm4b:s5+s2], $0x80, v4, vm0, $0xb8;
	[tilespmem:$0x16080] =	vst v63  }
0x7f: {  	s17 =	simm.s32 $0x12080;
	v3 =	vperm.xlane v3, v2  }
0x80: {  	[tilespmem:s17], [sflag:$0x2] =	stream.indirect_vreg.gather [hbm4b:s12+s2], $0x80, v4, vm0, $0xb8;
	[tilespmem:$0x16080] =	vst v63  }
0x81: {  	s19 =	simm.s32 $0x12880;
	v3 =	vadd.s32 v1, v3  }
0x82: {  	[tilespmem:s19], [sflag:$0x2] =	stream.indirect_vreg.gather [hbm4b:s13+s2], $0x80, v4, vm0, $0xb8;
	[tilespmem:$0x16080] =	vst v63  }
0x83: {  	s20 =	simm.s32 $0x13080  }
0x84: {  	[tilespmem:s20], [sflag:$0x2] =	stream.indirect_vreg.gather [hbm4b:s14+s2], $0x80, v4, vm1, $0xb8;
	[tilespmem:$0x16080] =	vst v63  }
0x85: {  	s21 =	simm.s32 $0x13480  }
0x86: {  	[tilespmem:s21], [sflag:$0x2] =	stream.indirect_vreg.gather [hbm4b:s11+s2], $0x80, v3, vm0, $0xb8;
	[tilespmem:$0x16080] =	vst v63  }
0x87: {  	s22 =	simm.s32 $0x13C80  }
0x88: {  	[tilespmem:s22], [sflag:$0x2] =	stream.indirect_vreg.gather [hbm4b:s0+s2], $0x80, v3, vm0, $0xb8;
	[tilespmem:$0x16080] =	vst v63  }
0x89: {  	s23 =	simm.s32 $0x14480  }
0x8a: {  	[tilespmem:s23], [sflag:$0x2] =	stream.indirect_vreg.gather [hbm4b:s5+s2], $0x80, v3, vm0, $0xb8;
	[tilespmem:$0x16080] =	vst v63  }
0x8b: {  	s5 =	simm.s32 $0x14C80  }
0x8c: {  	[tilespmem:s5], [sflag:$0x2] =	stream.indirect_vreg.gather [hbm4b:s12+s2], $0x80, v3, vm0, $0xb8;
	[tilespmem:$0x16080] =	vst v63  }
0x8d: {  	s12 =	simm.s32 $0x15480  }
0x8e: {  	[tilespmem:s12], [sflag:$0x2] =	stream.indirect_vreg.gather [hbm4b:s13+s2], $0x80, v3, vm0, $0xb8;
	[tilespmem:$0x16080] =	vst v63  }
0x8f: {  	s15 =	simm.s32 $0x1;
	s13 =	simm.s32 $0x15C80  }
0x90: {  	[tilespmem:s13], [sflag:$0x2] =	stream.indirect_vreg.gather [hbm4b:s14+s2], $0x80, v3, vm1, $0xb8;
	[tilespmem:$0x16080] =	vst v63  }
0x91: {  	s19 =	simm.s32 $0x2;
	s0 =	sand.u32 $0x1, s15;
	_ =	swait.ge [sflag:s24], $0xB000  }
0x92: {  	s21 =	sshrl.u32 s3, $0x3;
	s17 =	smul.u32 $0x2C000, s0;
	[sflag:s24] =	ssyncset.done $0x0  }
0x93: {  	s20 =	sadd.s32 $0x1, s0;
	s14 =	rddreg [dreg:$0x5];
	[sflag:s24] =	ssyncadd.s32 $0xFFFF5000  }
0x94: {  	[hbm4b:s14+s25] =	stream.strided.scatter [tilespmem:s18], [sflag:$0x3], $0xB000, s26, s25, $0x38;
	[tilespmem:$0x16080] =	vst v63  }
0x95: {  	s0 =	sadd.s32 $0x3, s0;
	s23 =	sadd.s32 s4, s21;
	_ =	swait.ge [sflag:s20], $0xB000  }
0x96: {  	s5 =	sshrl.u32 s17, $0x2;
	s12 =	sand.u32 $0x1, s19;
	[sflag:s20] =	ssyncset.done $0x0  }
0x97: {  	s5 =	sor.u32 $0x80, s5;
	s22 =	sadd.s32 $0x3, s12;
	[sflag:s20] =	ssyncadd.s32 $0xFFFF5000  }
0x98: {  	[hbm4b:s23+s25] =	stream.strided.scatter [tilespmem:s5], [sflag:s0], $0xB000, s26, s25, $0x38;
	[tilespmem:$0x16080] =	vst v63  }
0x99: {  	_ =	swait.ge [sflag:s22], $0xB000  }
0x9a: {  	[sflag:s22] =	ssyncset.done $0x0  }
0x9b: {  	[sflag:s22] =	ssyncadd.s32 $0xFFFF5000  }
0x9c: {  	v3 =	vld [tilespmem:$0x0];
	_ =	sdelay $0x4  }
0x9d: {  	v4 =	vshrl.u32 v3, $0x3  }
0x9e: {  	v4 =	vmul.u32 $0x1870, v4  }
0x9f: {  	v3 =	vand.u32 $0x7, v3  }
0xa0: {  	v3 =	vor.u32 v3, v4  }
0xa1: {  	v4 =	vperm.xlane v3, v0;
	_ =	sdelay $0x1  }
0xa2: {  	v4 =	vadd.s32 v1, v4  }
0xa3: {  	s14 =	smul.u32 $0x2C000, s12;
	_ =	sdelay $0x1  }
0xa4: {  	s5 =	sshrl.u32 s14, $0x2  }
0xa5: {  	s0 =	sadd.s32 $0x1, s12;
	s15 =	sor.u32 $0x80, s5  }
0xa6: {  	[tilespmem:s15], [sflag:s0] =	stream.indirect_vreg.gather [hbm4b:s16+s2], $0x80, v4, vm0, $0xb8;
	[tilespmem:$0x16080] =	vst v63  }
0xa7: {  	s12 =	sadd.s32 $0x100, s16;
	s17 =	sor.u32 $0x880, s5  }
0xa8: {  	[tilespmem:s17], [sflag:s0] =	stream.indirect_vreg.gather [hbm4b:s12+s2], $0x80, v4, vm0, $0xb8;
	[tilespmem:$0x16080] =	vst v63  }
0xa9: {  	s13 =	sadd.s32 $0x200, s16;
	s19 =	sadd.s32 $0x1080, s5  }
0xaa: {  	[tilespmem:s19], [sflag:s0] =	stream.indirect_vreg.gather [hbm4b:s13+s2], $0x80, v4, vm0, $0xb8;
	[tilespmem:$0x16080] =	vst v63  }
0xab: {  	s14 =	sadd.s32 $0x300, s16;
	s20 =	sadd.s32 $0x1880, s5;
	v3 =	vperm.xlane v3, v2  }
0xac: {  	[tilespmem:s20], [sflag:s0] =	stream.indirect_vreg.gather [hbm4b:s14+s2], $0x80, v4, vm0, $0xb8;
	[tilespmem:$0x16080] =	vst v63  }
0xad: {  	v3 =	vadd.s32 v1, v3;
	s15 =	sadd.s32 $0x400, s16;
	s19 =	sadd.s32 $0x2080, s5  }
0xae: {  	[tilespmem:s19], [sflag:s0] =	stream.indirect_vreg.gather [hbm4b:s15+s2], $0x80, v4, vm0, $0xb8;
	[tilespmem:$0x16080] =	vst v63  }
0xaf: {  	s21 =	sadd.s32 $0x2880, s5;
	s22 =	sadd.s32 $0x500, s16  }
0xb0: {  	[tilespmem:s21], [sflag:s0] =	stream.indirect_vreg.gather [hbm4b:s22+s2], $0x80, v4, vm1, $0xb8;
	[tilespmem:$0x16080] =	vst v63  }
0xb1: {  	s23 =	sadd.s32 $0x2C80, s5  }
0xb2: {  	[tilespmem:s23], [sflag:s0] =	stream.indirect_vreg.gather [hbm4b:s16+s2], $0x80, v3, vm0, $0xb8;
	[tilespmem:$0x16080] =	vst v63  }
0xb3: {  	s17 =	sadd.s32 $0x3480, s5  }
0xb4: {  	[tilespmem:s17], [sflag:s0] =	stream.indirect_vreg.gather [hbm4b:s12+s2], $0x80, v3, vm0, $0xb8;
	[tilespmem:$0x16080] =	vst v63  }
0xb5: {  	s20 =	sadd.s32 $0x3C80, s5  }
0xb6: {  	[tilespmem:s20], [sflag:s0] =	stream.indirect_vreg.gather [hbm4b:s13+s2], $0x80, v3, vm0, $0xb8;
	[tilespmem:$0x16080] =	vst v63  }
0xb7: {  	s21 =	sadd.s32 $0x4480, s5  }
0xb8: {  	[tilespmem:s21], [sflag:s0] =	stream.indirect_vreg.gather [hbm4b:s14+s2], $0x80, v3, vm0, $0xb8;
	[tilespmem:$0x16080] =	vst v63  }
0xb9: {  	s23 =	sadd.s32 $0x4C80, s5  }
0xba: {  	[tilespmem:s23], [sflag:s0] =	stream.indirect_vreg.gather [hbm4b:s15+s2], $0x80, v3, vm0, $0xb8;
	[tilespmem:$0x16080] =	vst v63  }
0xbb: {  	s17 =	sadd.s32 $0x5480, s5  }
0xbc: {  	[tilespmem:s17], [sflag:s0] =	stream.indirect_vreg.gather [hbm4b:s22+s2], $0x80, v3, vm1, $0xb8;
	[tilespmem:$0x16080] =	vst v63  }
0xbd: {  	v3 =	vld [tilespmem:$0x10];
	_ =	sdelay $0x4  }
0xbe: {  	v4 =	vshrl.u32 v3, $0x3  }
0xbf: {  	v4 =	vmul.u32 $0x1870, v4  }
0xc0: {  	v3 =	vand.u32 $0x7, v3  }
0xc1: {  	v3 =	vor.u32 v3, v4  }
0xc2: {  	v4 =	vperm.xlane v3, v0;
	_ =	sdelay $0x1  }
0xc3: {  	v4 =	vadd.s32 v1, v4;
	_ =	sdelay $0x3  }
0xc4: {  	s20 =	sadd.s32 $0x5880, s5  }
0xc5: {  	[tilespmem:s20], [sflag:s0] =	stream.indirect_vreg.gather [hbm4b:s16+s2], $0x80, v4, vm0, $0xb8;
	[tilespmem:$0x16080] =	vst v63  }
0xc6: {  	s21 =	sadd.s32 $0x6080, s5  }
0xc7: {  	[tilespmem:s21], [sflag:s0] =	stream.indirect_vreg.gather [hbm4b:s12+s2], $0x80, v4, vm0, $0xb8;
	[tilespmem:$0x16080] =	vst v63  }
0xc8: {  	s23 =	sadd.s32 $0x6880, s5  }
0xc9: {  	[tilespmem:s23], [sflag:s0] =	stream.indirect_vreg.gather [hbm4b:s13+s2], $0x80, v4, vm0, $0xb8;
	[tilespmem:$0x16080] =	vst v63  }
0xca: {  	s17 =	sadd.s32 $0x7080, s5;
	v3 =	vperm.xlane v3, v2  }
0xcb: {  	[tilespmem:s17], [sflag:s0] =	stream.indirect_vreg.gather [hbm4b:s14+s2], $0x80, v4, vm0, $0xb8;
	[tilespmem:$0x16080] =	vst v63  }
0xcc: {  	v3 =	vadd.s32 v1, v3;
	s20 =	sadd.s32 $0x7880, s5  }
0xcd: {  	[tilespmem:s20], [sflag:s0] =	stream.indirect_vreg.gather [hbm4b:s15+s2], $0x80, v4, vm0, $0xb8;
	[tilespmem:$0x16080] =	vst v63  }
0xce: {  	s21 =	sadd.s32 $0x8080, s5  }
0xcf: {  	[tilespmem:s21], [sflag:s0] =	stream.indirect_vreg.gather [hbm4b:s22+s2], $0x80, v4, vm1, $0xb8;
	[tilespmem:$0x16080] =	vst v63  }
0xd0: {  	s23 =	sadd.s32 $0x8480, s5  }
0xd1: {  	[tilespmem:s23], [sflag:s0] =	stream.indirect_vreg.gather [hbm4b:s16+s2], $0x80, v3, vm0, $0xb8;
	[tilespmem:$0x16080] =	vst v63  }
0xd2: {  	s17 =	sadd.s32 $0x8C80, s5  }
0xd3: {  	[tilespmem:s17], [sflag:s0] =	stream.indirect_vreg.gather [hbm4b:s12+s2], $0x80, v3, vm0, $0xb8;
	[tilespmem:$0x16080] =	vst v63  }
0xd4: {  	s20 =	sadd.s32 $0x9480, s5  }
0xd5: {  	[tilespmem:s20], [sflag:s0] =	stream.indirect_vreg.gather [hbm4b:s13+s2], $0x80, v3, vm0, $0xb8;
	[tilespmem:$0x16080] =	vst v63  }
0xd6: {  	s31 =	sadd.s32 $0x580, s16;
	s21 =	sadd.s32 $0x9C80, s5  }
0xd7: {  	[tilespmem:s21], [sflag:s0] =	stream.indirect_vreg.gather [hbm4b:s14+s2], $0x80, v3, vm0, $0xb8;
	[tilespmem:$0x16080] =	vst v63  }
0xd8: {  	s19 =	simm.s32 $0x3;
	s23 =	sadd.s32 $0xA480, s5;
	s12 =	simm.s32 $0x4  }
0xd9: {  	[tilespmem:s23], [sflag:s0] =	stream.indirect_vreg.gather [hbm4b:s15+s2], $0x80, v3, vm0, $0xb8;
	[tilespmem:$0x16080] =	vst v63  }
0xda: {  	s21 =	sadd.s32 $0xAC80, s5;
	s5 =	simm.s32 $0x2;
	s15 =	smov.u32 s3  }
.LBB2_2:
0xdb: {  	s5 =	sand.u32 $0x1, s5  }
0xdc: {  	s15 =	sadd.s32 $0x2C00, s15;
	s13 =	smov.u32 s12;
	s20 =	sadd.s32 $0x1, s12  }
0xdd: {  	s14 =	sadd.s32 $0x1, s5;
	s23 =	smul.u32 $0x2C000, s5;
	s17 =	sshrl.u32 s15, $0x3  }
0xde: {  	[tilespmem:s21], [sflag:s0] =	stream.indirect_vreg.gather [hbm4b:s22+s2], $0x80, v3, vm1, $0xb8;
	[tilespmem:$0x16080] =	vst v63  }
0xdf: {  	s22 =	sand.u32 $0x1, s19;
	_ =	swait.ge [sflag:s14], $0xB000;
	s0 =	sshrl.u32 s23, $0x2  }
0xe0: {  	s21 =	sadd.s32 $0x3, s22;
	[sflag:s14] =	ssyncset.done $0x0;
	s0 =	sor.u32 $0x80, s0  }
0xe1: {  	s5 =	sadd.s32 $0x3, s5;
	[sflag:s14] =	ssyncadd.s32 $0xFFFF5000;
	s14 =	sadd.s32 s4, s17  }
0xe2: {  	[hbm4b:s14+s25] =	stream.strided.scatter [tilespmem:s0], [sflag:s5], $0xB000, s26, s25, $0x38;
	[tilespmem:$0x16080] =	vst v63  }
0xe3: {  	p0 =	sne.s32 s12, $0x46;
	s0 =	smul.u32 $0x2C000, s22;
	_ =	swait.ge [sflag:s21], $0xB000  }
0xe4: {  	s19 =	smov.u32 s13;
	[sflag:s21] =	ssyncset.done $0x0  }
0xe5: {  	s23 =	sshrl.u32 s0, $0x2;
	[sflag:s21] =	ssyncadd.s32 $0xFFFF5000  }
0xe6: {  	s21 =	sadd.s32 $0xAC80, s23;
	v3 =	vld [tilespmem:$0x0];
	_ =	sdelay $0x4  }
0xe7: {  	v4 =	vshrl.u32 v3, $0x3  }
0xe8: {  	v4 =	vmul.u32 $0x1870, v4  }
0xe9: {  	v3 =	vand.u32 $0x7, v3  }
0xea: {  	v3 =	vor.u32 v3, v4  }
0xeb: {  	v4 =	vperm.xlane v3, v0;
	v3 =	vperm.xlane v3, v2;
	_ =	sdelay $0x1  }
0xec: {  	v4 =	vadd.s32 v1, v4;
	_ =	sdelay $0x3  }
0xed: {  	s0 =	sadd.s32 $0x1, s22;
	s5 =	sor.u32 $0x80, s23  }
0xee: {  	[tilespmem:s5], [sflag:s0] =	stream.indirect_vreg.gather [hbm4b:s31+s2], $0x80, v4, vm0, $0xb8;
	[tilespmem:$0x16080] =	vst v63  }
0xef: {  	s12 =	sor.u32 $0x880, s23;
	s5 =	sadd.s32 $0x100, s31  }
0xf0: {  	[tilespmem:s12], [sflag:s0] =	stream.indirect_vreg.gather [hbm4b:s5+s2], $0x80, v4, vm0, $0xb8;
	[tilespmem:$0x16080] =	vst v63  }
0xf1: {  	s13 =	sadd.s32 $0x200, s31;
	s12 =	sadd.s32 $0x1080, s23  }
0xf2: {  	[tilespmem:s12], [sflag:s0] =	stream.indirect_vreg.gather [hbm4b:s13+s2], $0x80, v4, vm0, $0xb8;
	[tilespmem:$0x16080] =	vst v63  }
0xf3: {  	s14 =	sadd.s32 $0x1880, s23;
	s12 =	sadd.s32 $0x300, s31  }
0xf4: {  	[tilespmem:s14], [sflag:s0] =	stream.indirect_vreg.gather [hbm4b:s12+s2], $0x80, v4, vm0, $0xb8;
	[tilespmem:$0x16080] =	vst v63  }
0xf5: {  	s17 =	sadd.s32 $0x2080, s23;
	v3 =	vadd.s32 v1, v3;
	s14 =	sadd.s32 $0x400, s31  }
0xf6: {  	[tilespmem:s17], [sflag:s0] =	stream.indirect_vreg.gather [hbm4b:s14+s2], $0x80, v4, vm0, $0xb8;
	[tilespmem:$0x16080] =	vst v63  }
0xf7: {  	s22 =	sadd.s32 $0x500, s31;
	s17 =	sadd.s32 $0x2880, s23  }
0xf8: {  	[tilespmem:s17], [sflag:s0] =	stream.indirect_vreg.gather [hbm4b:s22+s2], $0x80, v4, vm1, $0xb8;
	[tilespmem:$0x16080] =	vst v63  }
0xf9: {  	s17 =	sadd.s32 $0x2C80, s23  }
0xfa: {  	[tilespmem:s17], [sflag:s0] =	stream.indirect_vreg.gather [hbm4b:s31+s2], $0x80, v3, vm0, $0xb8;
	[tilespmem:$0x16080] =	vst v63  }
0xfb: {  	s17 =	sadd.s32 $0x3480, s23  }
0xfc: {  	[tilespmem:s17], [sflag:s0] =	stream.indirect_vreg.gather [hbm4b:s5+s2], $0x80, v3, vm0, $0xb8;
	[tilespmem:$0x16080] =	vst v63  }
0xfd: {  	s17 =	sadd.s32 $0x3C80, s23  }
0xfe: {  	[tilespmem:s17], [sflag:s0] =	stream.indirect_vreg.gather [hbm4b:s13+s2], $0x80, v3, vm0, $0xb8;
	[tilespmem:$0x16080] =	vst v63  }
0xff: {  	s17 =	sadd.s32 $0x4480, s23  }
0x100: {  	[tilespmem:s17], [sflag:s0] =	stream.indirect_vreg.gather [hbm4b:s12+s2], $0x80, v3, vm0, $0xb8;
	[tilespmem:$0x16080] =	vst v63  }
0x101: {  	s17 =	sadd.s32 $0x4C80, s23  }
0x102: {  	[tilespmem:s17], [sflag:s0] =	stream.indirect_vreg.gather [hbm4b:s14+s2], $0x80, v3, vm0, $0xb8;
	[tilespmem:$0x16080] =	vst v63  }
0x103: {  	s17 =	sadd.s32 $0x5480, s23  }
0x104: {  	[tilespmem:s17], [sflag:s0] =	stream.indirect_vreg.gather [hbm4b:s22+s2], $0x80, v3, vm1, $0xb8;
	[tilespmem:$0x16080] =	vst v63  }
0x105: {  	v3 =	vld [tilespmem:$0x10];
	_ =	sdelay $0x4  }
0x106: {  	v4 =	vshrl.u32 v3, $0x3  }
0x107: {  	v4 =	vmul.u32 $0x1870, v4  }
0x108: {  	v3 =	vand.u32 $0x7, v3  }
0x109: {  	v3 =	vor.u32 v3, v4  }
0x10a: {  	v4 =	vperm.xlane v3, v0;
	v3 =	vperm.xlane v3, v2;
	_ =	sdelay $0x1  }
0x10b: {  	v4 =	vadd.s32 v1, v4;
	_ =	sdelay $0x3  }
0x10c: {  	s17 =	sadd.s32 $0x5880, s23  }
0x10d: {  	[tilespmem:s17], [sflag:s0] =	stream.indirect_vreg.gather [hbm4b:s31+s2], $0x80, v4, vm0, $0xb8;
	[tilespmem:$0x16080] =	vst v63  }
0x10e: {  	s17 =	sadd.s32 $0x6080, s23  }
0x10f: {  	[tilespmem:s17], [sflag:s0] =	stream.indirect_vreg.gather [hbm4b:s5+s2], $0x80, v4, vm0, $0xb8;
	[tilespmem:$0x16080] =	vst v63  }
0x110: {  	s17 =	sadd.s32 $0x6880, s23  }
0x111: {  	[tilespmem:s17], [sflag:s0] =	stream.indirect_vreg.gather [hbm4b:s13+s2], $0x80, v4, vm0, $0xb8;
	[tilespmem:$0x16080] =	vst v63  }
0x112: {  	s17 =	sadd.s32 $0x7080, s23  }
0x113: {  	[tilespmem:s17], [sflag:s0] =	stream.indirect_vreg.gather [hbm4b:s12+s2], $0x80, v4, vm0, $0xb8;
	[tilespmem:$0x16080] =	vst v63  }
0x114: {  	v3 =	vadd.s32 v1, v3;
	s17 =	sadd.s32 $0x7880, s23  }
0x115: {  	[tilespmem:s17], [sflag:s0] =	stream.indirect_vreg.gather [hbm4b:s14+s2], $0x80, v4, vm0, $0xb8;
	[tilespmem:$0x16080] =	vst v63  }
0x116: {  	s17 =	sadd.s32 $0x8080, s23  }
0x117: {  	[tilespmem:s17], [sflag:s0] =	stream.indirect_vreg.gather [hbm4b:s22+s2], $0x80, v4, vm1, $0xb8;
	[tilespmem:$0x16080] =	vst v63  }
0x118: {  	s17 =	sadd.s32 $0x8480, s23  }
0x119: {  	[tilespmem:s17], [sflag:s0] =	stream.indirect_vreg.gather [hbm4b:s31+s2], $0x80, v3, vm0, $0xb8;
	[tilespmem:$0x16080] =	vst v63  }
0x11a: {  	s17 =	sadd.s32 $0x8C80, s23  }
0x11b: {  	[tilespmem:s17], [sflag:s0] =	stream.indirect_vreg.gather [hbm4b:s5+s2], $0x80, v3, vm0, $0xb8;
	[tilespmem:$0x16080] =	vst v63  }
0x11c: {  	s5 =	sadd.s32 $0x9480, s23  }
0x11d: {  	[tilespmem:s5], [sflag:s0] =	stream.indirect_vreg.gather [hbm4b:s13+s2], $0x80, v3, vm0, $0xb8;
	[tilespmem:$0x16080] =	vst v63  }
.Ltmp0:
0x11e: {  	s5 =	sadd.s32 $0x9C80, s23;
	(pc) =	sbr.rel @p0 .LBB2_2-.Ltmp0, $4  }
0x11f: {  	[tilespmem:s5], [sflag:s0] =	stream.indirect_vreg.gather [hbm4b:s12+s2], $0x80, v3, vm0, $0xb8;
	[tilespmem:$0x16080] =	vst v63  }
0x120: {  	s31 =	sadd.s32 $0x580, s31;
	s5 =	sadd.s32 $0xFFFFFFFF, s19;
	s12 =	sadd.s32 $0xA480, s23  }
0x121: {  	[tilespmem:s12], [sflag:s0] =	stream.indirect_vreg.gather [hbm4b:s14+s2], $0x80, v3, vm0, $0xb8;
	[tilespmem:$0x16080] =	vst v63  }
0x122: {  	s12 =	smov.u32 s20  }
0x123: {  	_ =	sdelay $0x2  }
0x124: {  	s5 =	sand.u32 $0x1, s5;
	s12 =	sadd.s32 $0x2C00, s15  }
0x125: {  	[tilespmem:s21], [sflag:s0] =	stream.indirect_vreg.gather [hbm4b:s22+s2], $0x80, v3, vm1, $0xb8;
	[tilespmem:$0x16080] =	vst v63  }
0x126: {  	s22 =	sand.u32 $0x1, s19;
	s13 =	sadd.s32 $0x1, s5;
	s14 =	smul.u32 $0x2C000, s5  }
0x127: {  	s12 =	sshrl.u32 s12, $0x3;
	s23 =	sadd.s32 $0x3, s22;
	_ =	swait.ge [sflag:s13], $0xB000  }
0x128: {  	s5 =	sadd.s32 $0x3, s5;
	s21 =	sshrl.u32 s14, $0x2;
	[sflag:s13] =	ssyncset.done $0x0  }
0x129: {  	s12 =	sadd.s32 s4, s12;
	s0 =	sor.u32 $0x80, s21;
	[sflag:s13] =	ssyncadd.s32 $0xFFFF5000  }
0x12a: {  	[hbm4b:s12+s25] =	stream.strided.scatter [tilespmem:s0], [sflag:s5], $0xB000, s26, s25, $0x38;
	[tilespmem:$0x16080] =	vst v63  }
0x12b: {  	_ =	swait.ge [sflag:s23], $0xB000  }
0x12c: {  	[sflag:s23] =	ssyncset.done $0x0  }
0x12d: {  	[sflag:s23] =	ssyncadd.s32 $0xFFFF5000  }
0x12e: {  	v3 =	vld [tilespmem:$0x0];
	_ =	sdelay $0x4  }
0x12f: {  	v4 =	vshrl.u32 v3, $0x3  }
0x130: {  	v4 =	vmul.u32 $0x1870, v4  }
0x131: {  	v3 =	vand.u32 $0x7, v3  }
0x132: {  	v3 =	vor.u32 v3, v4  }
0x133: {  	v4 =	vperm.xlane v3, v0;
	_ =	sdelay $0x1  }
0x134: {  	v4 =	vadd.s32 v1, v4  }
0x135: {  	s15 =	smul.u32 $0x2C000, s22;
	_ =	sdelay $0x1  }
0x136: {  	s0 =	sshrl.u32 s15, $0x2  }
0x137: {  	s5 =	sadd.s32 $0x1, s22;
	s17 =	sor.u32 $0x80, s0  }
0x138: {  	[tilespmem:s17], [sflag:s5] =	stream.indirect_vreg.gather [hbm4b:s31+s2], $0x80, v4, vm0, $0xb8;
	[tilespmem:$0x16080] =	vst v63  }
0x139: {  	s12 =	sadd.s32 $0x100, s31;
	s19 =	sor.u32 $0x880, s0  }
0x13a: {  	[tilespmem:s19], [sflag:s5] =	stream.indirect_vreg.gather [hbm4b:s12+s2], $0x80, v4, vm0, $0xb8;
	[tilespmem:$0x16080] =	vst v63  }
0x13b: {  	s13 =	sadd.s32 $0x200, s31;
	s20 =	sadd.s32 $0x1080, s0  }
0x13c: {  	[tilespmem:s20], [sflag:s5] =	stream.indirect_vreg.gather [hbm4b:s13+s2], $0x80, v4, vm0, $0xb8;
	[tilespmem:$0x16080] =	vst v63  }
0x13d: {  	s14 =	sadd.s32 $0x300, s31;
	s21 =	sadd.s32 $0x1880, s0;
	v3 =	vperm.xlane v3, v2  }
0x13e: {  	[tilespmem:s21], [sflag:s5] =	stream.indirect_vreg.gather [hbm4b:s14+s2], $0x80, v4, vm0, $0xb8;
	[tilespmem:$0x16080] =	vst v63  }
0x13f: {  	s15 =	sadd.s32 $0x400, s31;
	v3 =	vadd.s32 v1, v3;
	s17 =	sadd.s32 $0x2080, s0  }
0x140: {  	[tilespmem:s17], [sflag:s5] =	stream.indirect_vreg.gather [hbm4b:s15+s2], $0x80, v4, vm0, $0xb8;
	[tilespmem:$0x16080] =	vst v63  }
0x141: {  	s22 =	sadd.s32 $0x2880, s0;
	s17 =	sadd.s32 $0x500, s31  }
0x142: {  	[tilespmem:s22], [sflag:s5] =	stream.indirect_vreg.gather [hbm4b:s17+s2], $0x80, v4, vm1, $0xb8;
	[tilespmem:$0x16080] =	vst v63  }
0x143: {  	s23 =	sadd.s32 $0x2C80, s0  }
0x144: {  	[tilespmem:s23], [sflag:s5] =	stream.indirect_vreg.gather [hbm4b:s31+s2], $0x80, v3, vm0, $0xb8;
	[tilespmem:$0x16080] =	vst v63  }
0x145: {  	s20 =	sadd.s32 $0x3480, s0  }
0x146: {  	[tilespmem:s20], [sflag:s5] =	stream.indirect_vreg.gather [hbm4b:s12+s2], $0x80, v3, vm0, $0xb8;
	[tilespmem:$0x16080] =	vst v63  }
0x147: {  	s21 =	sadd.s32 $0x3C80, s0  }
0x148: {  	[tilespmem:s21], [sflag:s5] =	stream.indirect_vreg.gather [hbm4b:s13+s2], $0x80, v3, vm0, $0xb8;
	[tilespmem:$0x16080] =	vst v63  }
0x149: {  	s22 =	sadd.s32 $0x4480, s0  }
0x14a: {  	[tilespmem:s22], [sflag:s5] =	stream.indirect_vreg.gather [hbm4b:s14+s2], $0x80, v3, vm0, $0xb8;
	[tilespmem:$0x16080] =	vst v63  }
0x14b: {  	s23 =	sadd.s32 $0x4C80, s0  }
0x14c: {  	[tilespmem:s23], [sflag:s5] =	stream.indirect_vreg.gather [hbm4b:s15+s2], $0x80, v3, vm0, $0xb8;
	[tilespmem:$0x16080] =	vst v63  }
0x14d: {  	s20 =	sadd.s32 $0x5480, s0  }
0x14e: {  	[tilespmem:s20], [sflag:s5] =	stream.indirect_vreg.gather [hbm4b:s17+s2], $0x80, v3, vm1, $0xb8;
	[tilespmem:$0x16080] =	vst v63  }
0x14f: {  	v3 =	vld [tilespmem:$0x10];
	_ =	sdelay $0x4  }
0x150: {  	v63 =	vshrl.u32 v3, $0x3  }
0x151: {  	v4 =	vmul.u32 $0x1870, v63  }
0x152: {  	v3 =	vand.u32 $0x7, v3  }
0x153: {  	v3 =	vor.u32 v3, v4  }
0x154: {  	v4 =	vperm.xlane v3, v0;
	_ =	sdelay $0x1  }
0x155: {  	v4 =	vadd.s32 v1, v4;
	_ =	sdelay $0x3  }
0x156: {  	s21 =	sadd.s32 $0x5880, s0  }
0x157: {  	[tilespmem:s21], [sflag:s5] =	stream.indirect_vreg.gather [hbm4b:s31+s2], $0x80, v4, vm0, $0xb8;
	[tilespmem:$0x16080] =	vst v63  }
0x158: {  	s22 =	sadd.s32 $0x6080, s0  }
0x159: {  	[tilespmem:s22], [sflag:s5] =	stream.indirect_vreg.gather [hbm4b:s12+s2], $0x80, v4, vm0, $0xb8;
	[tilespmem:$0x16080] =	vst v63  }
0x15a: {  	s23 =	sadd.s32 $0x6880, s0  }
0x15b: {  	[tilespmem:s23], [sflag:s5] =	stream.indirect_vreg.gather [hbm4b:s13+s2], $0x80, v4, vm0, $0xb8;
	[tilespmem:$0x16080] =	vst v63  }
0x15c: {  	s20 =	sadd.s32 $0x7080, s0;
	v3 =	vperm.xlane v3, v2  }
0x15d: {  	[tilespmem:s20], [sflag:s5] =	stream.indirect_vreg.gather [hbm4b:s14+s2], $0x80, v4, vm0, $0xb8;
	[tilespmem:$0x16080] =	vst v63  }
0x15e: {  	v3 =	vadd.s32 v1, v3;
	s21 =	sadd.s32 $0x7880, s0  }
0x15f: {  	[tilespmem:s21], [sflag:s5] =	stream.indirect_vreg.gather [hbm4b:s15+s2], $0x80, v4, vm0, $0xb8;
	[tilespmem:$0x16080] =	vst v63  }
0x160: {  	s22 =	sadd.s32 $0x8080, s0  }
0x161: {  	[tilespmem:s22], [sflag:s5] =	stream.indirect_vreg.gather [hbm4b:s17+s2], $0x80, v4, vm1, $0xb8;
	[tilespmem:$0x16080] =	vst v63  }
0x162: {  	s23 =	sadd.s32 $0x8480, s0  }
0x163: {  	[tilespmem:s23], [sflag:s5] =	stream.indirect_vreg.gather [hbm4b:s31+s2], $0x80, v3, vm0, $0xb8;
	[tilespmem:$0x16080] =	vst v63  }
0x164: {  	s31 =	sadd.s32 $0x8C80, s0  }
0x165: {  	[tilespmem:s31], [sflag:s5] =	stream.indirect_vreg.gather [hbm4b:s12+s2], $0x80, v3, vm0, $0xb8;
	[tilespmem:$0x16080] =	vst v63  }
0x166: {  	s20 =	sadd.s32 $0x9480, s0  }
0x167: {  	[tilespmem:s20], [sflag:s5] =	stream.indirect_vreg.gather [hbm4b:s13+s2], $0x80, v3, vm0, $0xb8;
	[tilespmem:$0x16080] =	vst v63  }
0x168: {  	s21 =	sadd.s32 $0x9C80, s0  }
0x169: {  	[tilespmem:s21], [sflag:s5] =	stream.indirect_vreg.gather [hbm4b:s14+s2], $0x80, v3, vm0, $0xb8;
	[tilespmem:$0x16080] =	vst v63  }
0x16a: {  	s22 =	sadd.s32 $0xA480, s0  }
0x16b: {  	[tilespmem:s22], [sflag:s5] =	stream.indirect_vreg.gather [hbm4b:s15+s2], $0x80, v3, vm0, $0xb8;
	[tilespmem:$0x16080] =	vst v63  }
0x16c: {  	s0 =	sadd.s32 $0xAC80, s0  }
0x16d: {  	[tilespmem:s0], [sflag:s5] =	stream.indirect_vreg.gather [hbm4b:s17+s2], $0x80, v3, vm1, $0xb8;
	[tilespmem:$0x16080] =	vst v63  }
0x16e: {  	_ =	swait.ge [sflag:s24], $0xB000  }
0x16f: {  	[sflag:s24] =	ssyncset.done $0x0  }
0x170: {  	s23 =	rddreg [dreg:$0x6];
	[sflag:s24] =	ssyncadd.s32 $0xFFFF5000  }
0x171: {  	[hbm4b:s23+s25] =	stream.strided.scatter [tilespmem:s18], [sflag:$0x3], $0xB000, s26, s25, $0x38;
	[tilespmem:$0x16080] =	vst v63  }
0x172: {  	_ =	swait.ge [sflag:s28], $0xB000  }
0x173: {  	[sflag:s28] =	ssyncset.done $0x0  }
0x174: {  	[sflag:s28] =	ssyncadd.s32 $0xFFFF5000  }
0x175: {  	_ =	swait.ge [sflag:s29], $0xB000  }
0x176: {  	s30 =	sadd.s32 $0x1, s30;
	s31 =	rddreg [dreg:$0x7]  }
0x177: {  	p0 =	sne.s32 s30, s31  }
.Ltmp1:
0x178: {  	_ = 	snop;
	(pc) =	sbr.rel @p0 .LBB2_1-.Ltmp1, $3  }
0x179: {  	_ =	sdelay $0x1  }
0x17a: {  	[sflag:s29] =	ssyncset.done $0x0  }
0x17b: {  	[sflag:s29] =	ssyncadd.s32 $0xFFFF5000  }
0x17c: {  	_ =	sfence.sel $0x180000  }
0x17d: {  	[bflag:$0x0] =	sbarrier.arrive $0xFFFF  }
0x17e: {  	_ =	strace $0x90000047  }
0x17f: {  	s0 =	stileid.u32;
	[bflag:$0x2] =	sbarrier.arrive $0xFFFF  }
0x180: {  	p0 =	sne.s32 s0, $0x0;
	s0 =	rddreg [dreg:$0x3]  }
0x181: {  	s0 =	sadd.s32 @!p0 $0x100000, s0  }
0x182: {  	[sflag:s0] =	ssyncadd.tile.s32 @!p0 $0x1;
	_ =	shalt  }
.Lfunc_end2:
_tile_overlayer_lowered:
.L_overlay_start_2:
0x183: {  	(tag) =	ssettag $0x2  }
0x184: {  	s0 =	rddreg [dreg:$0x0];
	s2 =	stileid.u32  }
0x185: {  	s1 =	rddreg [dreg:$0x1];
	p0 =	sne.s32 s2, $0x0  }
0x186: {  	s3 =	rddreg [dreg:$0x2];
	[bflag:$0x3] =	sbarrier.arrive $0xFFFF;
	s2 =	simm.s32 @!p0 $0x1C05  }
0x187: {  	[timem:s3], [sflag:s2] =	dma.local @!p0 [hbm:s0], s1  }
0x188: {  	s0 =	simm.s32 @!p0 $0x5  }
0x189: {  	_ =	swait.ge @!p0 [sflag:s0], s1  }
0x18a: {  	s1 =	ssub.s32 @!p0 $0x0, s1;
	[sflag:s0] =	ssyncset.done @!p0 $0x0  }
0x18b: {  	[sflag:s0] =	ssyncadd.s32 @!p0 s1  }
0x18c: {  	[bflag:$0x3] =	sbarrier.arrive $0xFFFF  }
0x18d: {  	_ =	shalt  }

// kernel: sparse-core-data-format-call.cloned.1.call-start
scs
called_computation_lowered:
.L_overlay_start_0:
0x0: {  	s2 =	sld [smem:$0x3FD9]  }
0x1: {  	s3 =	sld [smem:$0x3FFE];
	_ =	sdelay $0x1  }
0x2: {  	s1 =	srdreg.scid  }
0x3: {  	s0 =	sand.u32 $0x1, s1  }
0x4: {  	s18 =	sshll.u32 s0, $0xA;
	s2 =	sadd.s32 s3, s2  }
0x5: {  	s2 =	sadd.s32 s2, s18  }
0x6: {  	[smem:$0x3FC6] =	sst s2  }
0x7: {  	_ = 	snop  }
0x8: {  	s2 =	sld [smem:$0x3FD0];
	(tm) =	ssettm $0x1  }
0x9: {  	s19 =	sld [smem:$0x3FFB];
	_ =	sdelay $0x3  }
0xa: {  	_ =	strace s19  }
0xb: {  	s3 =	sld [smem:$0x3FFC];
	_ =	sdelay $0x3  }
0xc: {  	_ =	strace s3  }
0xd: {  	s3 =	sld [smem:$0x3FFD];
	_ =	sdelay $0x3  }
0xe: {  	_ =	strace s3  }
0xf: {  	_ =	strace $0x8FFFFFFF  }
0x10: {  	s20 =	sld [smem:$0x3FDB];
	_ =	sdelay $0x1  }
0x11: {  	s4 =	simm.s32 $_scs_section_size  }
0x12: {  	s5 =	simm.s32 $_size__tile_overlayer_lowered;
	s6 =	simm.s32 $_tile_overlayer_lowered  }
0x13: {  	s23 =	simm.s32 $0x1BFF;
	s22 =	sshll.u32 s6, $0x1;
	s3 =	sadd.s32 s4, s20  }
0x14: {  	s7 =	simm.s32 $0x0;
	s21 =	sshll.u32 s5, $0x1;
	s5 =	sadd.s32 s22, s3  }
0x15: {  	[timem:s7], [sflag:s23] =	dma.local [hbm:s5], s21  }
0x16: {  	_ =	swait.ge [sflag:s23], s21  }
0x17: {  	s4 =	ssub.s32 $0x0, s21;
	[sflag:s23] =	ssyncset.done $0x0  }
0x18: {  	[sflag:s23] =	ssyncadd.s32 s4;
	_ =	sdelay $0x1  }
0x19: {  	s24 =	simm.s32 $0x1B8B  }
0x1a: {  	_ =	swait.ge [sflag:s24], $0x1  }
0x1b: {  	[sflag:s24] =	ssyncset.done $0x0  }
0x1c: {  	s26 =	simm.s32 $0x1B8E;
	s25 =	sld [smem:$0x3FFE];
	[sflag:s24] =	ssyncadd.s32 $0xFFFFFFFF  }
0x1d: {  	s27 =	simm.s32 $execute0_lowered;
	[smem:$0x3FD2] =	sst s26  }
0x1e: {  	s5 =	sshll.u32 s27, $0x1;
	_ =	strace $0x80000049;
	[dreg:$0x1] =	wrdreg $0xFFFFFFFF  }
0x1f: {  	s28 =	simm.s32 $_size_execute0_lowered;
	s3 =	sadd.s32 s3, s5;
	[dreg:$0x0] =	wrdreg $0x0  }
0x20: {  	s5 =	sshll.u32 s28, $0x1;
	[dreg:$0x2] =	wrdreg s3  }
0x21: {  	[dreg:$0x3] =	wrdreg s5  }
0x22: {  	[dreg:$0x4] =	wrdreg $0xC0  }
0x23: {  	_ =	task [dreg:s7], $0x5FFFF  }
0x24: {  	[dreg:$0x1] =	wrdreg $0xFFFFFFFF  }
0x25: {  	[dreg:$0x0] =	wrdreg $0x60  }
0x26: {  	[dreg:$0x2] =	wrdreg s25  }
0x27: {  	[dreg:$0x3] =	wrdreg s2  }
0x28: {  	[dreg:$0x4] =	wrdreg $0x9  }
0x29: {  	_ =	task.clear_ibuf [dreg:s7], $0x5FFFF;
	_ =	strace $0x90000049  }
0x2a: {  	s29 =	simm.s32 $0x9;
	_ =	strace $0x8000004B  }
0x2b: {  	_ =	swait.ge [sflag:s29], $0x1  }
0x2c: {  	[sflag:s29] =	ssyncadd.s32 $0xFFFFFFFF  }
0x2d: {  	_ =	strace $0x9000004B  }
0x2e: {  	_ =	sfence  }
0x2f: {  	s30 =	sld [smem:$0x0];
	_ =	sdelay $0x2  }
0x30: {  	s31 =	sshll.u32 s1, $0xD;
	s1 =	sshrl.u32 s1, $0x2  }
0x31: {  	s3 =	sand.u32 $0x4000, s31;
	s1 =	sadd.s32 s1, s30  }
0x32: {  	s0 =	sor.u32 s3, s0;
	s1 =	sshll.u32 s1, $0x11  }
0x33: {  	s0 =	sor.u32 s1, s0  }
0x34: {  	s0 =	sadd.s32 $0x8F2B, s0  }
0x35: {  	[sflag:s0] =	ssyncadd.remote.s32 $0x1  }
0x36: {  	_ =	sfence.sel $0xFFFF  }
0x37: {  	[dreg:$0x0] =	wrdreg $0xFFFFFFFF;
	(pc) =	sbr.abs _section_cstart, $3  }
0x38: {  	[dreg:$0x1] =	wrdreg $0xFFFFFFFF  }
0x39: {  	_ =	task.clear_ibuf [dreg:s7], $0x2FFFF;
	_ =	strace $0x9FFFFFFF  }
0x3a: {  	(tm) =	ssettm $0x7FFFFFFF  }
0x3b: {  	_ =	shalt  }
tec
execute0_lowered:
.L_overlay_start_1:
0x0: {  	(tag) =	ssettag $0x1  }
0x1: {  	s0 =	stileid.u32  }
0x2: {  	s2 =	srdreg.scid;
	s7 =	rddreg [dreg:$0x0]  }
0x3: {  	s6 =	simm.s32 $0x1;
	s31 =	simm.s32 $0x2;
	s16 =	simm.s32 $0x0  }
0x4: {  	s9 =	simm.s32 $0x2000;
	s15 =	simm.s32 $0x0;
	s10 =	simm.s32 $0x0  }
0x5: {  	s11 =	simm.s32 $0x0;
	s14 =	simm.s32 $0x0;
	s1 =	sshll.u32 s0, $0x7  }
0x6: {  	s3 =	sshll.u32 s0, $0x4;
	s2 =	sshll.u32 s2, $0x8;
	s1 =	sand.u32 $0x380, s1  }
0x7: {  	s7 =	sadd.s32 $0xA00, s7;
	s2 =	sor.u32 s3, s2;
	s5 =	ssub.s32 $0x400, s1  }
0x8: {  	s3 =	rddreg [dreg:$0x1];
	s4 =	sand.u32 $0x180, s2;
	s29 =	sand.u32 $0x380, s5  }
0x9: {  	s30 =	ssub.s32 $0x18680, s4;
	s5 =	sshrl.u32 s5, $0xA;
	p0 =	sne.s32 s29, $0x0  }
.Ltmp0:
0xa: {  	s8 =	sshrl.u32 s30, $0x9;
	s6 =	simm.s32 @!p0 $0x0;
	(pc) =	sbr.rel .LBB1_1-.Ltmp0, $4  }
0xb: {  	s2 =	rddreg [dreg:$0x2];
	s8 =	sadd.s32 $0x1, s8;
	s6 =	sadd.s32 s6, s5  }
0xc: {  	_ =	strace $0x8000004A;
	s5 =	simm.s32 $0x1;
	s6 =	smul.u32 s6, s8  }
0xd: {  	s13 =	smov.u32 s1;
	s12 =	smov.u32 s4;
	[sflag:s5] =	ssyncpa.u1 $0x0  }
0xe: {  	p0 =	por $0x0, $0x0;
	[sflag:s31] =	ssyncpa.u1 $0x0;
	s8 =	sadd.s32 $0x1, s6  }
.LBB1_4:
0xf: {  	s21 =	sshra.s32 s21, $0x2;
	s27 =	sshll.u32 s10, $0xA;
	s22 =	sshll.u32 s11, $0x3  }
0x10: {  	s23 =	sshll.u32 s10, $0x7;
	s24 =	sand.u32 $0x78, s11;
	p1 =	sgt.s32 s10, $0x18620  }
0x11: {  	s25 =	sshra.s32 s10, $0x1F;
	s26 =	sshra.s32 s11, $0x1F;
	s20 =	sadd.s32 s21, s20  }
0x12: {  	v5 =	vld [tilespmem:s18+$0xFFFFFFD0];
	[tilespmem:s19+$0x2040 ss:$0x81] =	vst.msk $0xffff, v4;
	s21 =	sand.u32 $0xFFFFE000, s27;
	s22 =	sand.u32 $0xFFFFFC00, s22;
	s28 =	sand.u32 $0x380, s23  }
0x13: {  	v58 =	vld [tilespmem:s18+$0xFFFFFFE0];
	[tilespmem:s19+$0x2850 ss:$0x81] =	vst.msk $0xffff, v3;
	s23 =	smov.u32 s10;
	s30 =	sand.u32 s25, s10;
	s25 =	smov.u32 s11  }
0x14: {  	v59 =	vld [tilespmem:s18+$0xFFFFFFF0];
	[tilespmem:s19+$0x3060 ss:$0x81] =	vst.msk $0xffff, v2;
	s31 =	sand.u32 s26, s11;
	s21 =	sadd.s32 s22, s21;
	s22 =	sor.u32 s24, s28  }
0x15: {  	v60 =	vld [tilespmem:s18+$0x0];
	[tilespmem:s19+$0x0 ss:$0x81] =	vst.msk $0xffff, v1;
	s23 =	simm.s32 @!p1 $0x18620;
	p1 =	sgt.s32 s11, $0x380;
	s21 =	sshrl.u32 s21, $0xA  }
0x16: {  	v61 =	vld [tilespmem:s18+$0x10];
	[tilespmem:s20+$0x3870 ss:$0x81] =	vst.msk $0xffff, v0;
	s19 =	ssub.s32 s23, s30;
	s25 =	simm.s32 @!p1 $0x380;
	s29 =	smulhi.u32 $0x53E2D7, s21  }
0x17: {  	v62 =	vld [tilespmem:s18+$0x20];
	s23 =	ssub.s32 s25, s31;
	s26 =	sadd.s32 $0xFFFE79E0, s19;
	s19 =	ssub.s32 $0x186A0, s19;
	[tilespmem:s20+$0x810 ss:$0x81] =	vst.msk $0xffff, v5  }
0x18: {  	v63 =	vld [tilespmem:s18+$0xFFFFFFC0];
	[tilespmem:s20+$0x1020 ss:$0x81] =	vst.msk $0xffff, v58;
	p1 =	sgt.s32 s26, $0x7F;
	s28 =	sadd.s32 $0xFFFFFC80, s23;
	s24 =	sshrl.u32 s29, $0x7  }
0x19: {  	[tilespmem:s20+$0x1830 ss:$0x81] =	vst.msk $0xffff, v59;
	s23 =	ssub.s32 $0x400, s23;
	p2 =	sgt.s32 s28, $0x7F;
	s27 =	smul.u32 $0x186A0, s24  }
0x1a: {  	s30 =	sand.u32 $0x7, s11;
	[tilespmem:s20+$0x2040 ss:$0x81] =	vst.msk $0xffff, v60;
	s19 =	simm.s32 @p1 $0x0;
	s23 =	simm.s32 @p2 $0x0  }
0x1b: {  	[tilespmem:s20+$0x2850 ss:$0x81] =	vst.msk $0xffff, v61;
	s29 =	sshrl.u32 s22, $0x3;
	s19 =	smul.u32 s23, s19;
	s18 =	ssub.s32 s21, s27  }
0x1c: {  	[tilespmem:s20+$0x3060 ss:$0x81] =	vst.msk $0xffff, v62;
	s22 =	sshll.u32 s30, $0x12;
	s21 =	sadd.s32 s3, s29;
	s18 =	sshll.u32 s18, $0x7  }
0x1d: {  	[tilespmem:s20+$0x0 ss:$0x81] =	vst.msk $0xffff, v63;
	s31 =	sor.u32 $0x400, s22;
	s19 =	sand.u32 $0x3FFFFFFF, s19;
	s18 =	sadd.s32 s18, s21  }
0x1e: {  	[hbm4b:s18+s31] =	stream.strided.scatter [tilespmem:s17], [sflag:$0x2], s19, s9, s31, $0x20;
	[tilespmem:$0x10100] =	vst v63  }
.LBB1_5:
0x1f: {  	p1 =	slt.u32 s14, $0x2  }
0x20: {  	s18 =	smov.u32 s16;
	p2 =	sgt.s32 @!p1 s16, $0x18620;
	s17 =	sshra.s32 @!p1 s16, $0x1F  }
0x21: {  	p3 =	sgt.s32 @!p1 s15, $0x380;
	s19 =	sshra.s32 @!p1 s15, $0x1F;
	p2 =	por !p2, p1  }
0x22: {  	s16 =	sand.u32 @!p1 s17, s16;
	p3 =	por !p3, p1;
	s17 =	smov.u32 s15  }
0x23: {  	s15 =	sand.u32 @!p1 s19, s15;
	s18 =	simm.s32 @p2 $0x18620;
	s17 =	simm.s32 @p3 $0x380  }
0x24: {  	s16 =	ssub.s32 @!p1 s18, s16;
	s15 =	ssub.s32 @!p1 s17, s15  }
0x25: {  	s19 =	smov.u32 s13;
	s17 =	sadd.s32 @!p1 $0xFFFE79E0, s16;
	s18 =	sadd.s32 @!p1 $0xFFFFFC80, s15  }
0x26: {  	s16 =	ssub.s32 @!p1 $0x186A0, s16;
	p2 =	sgt.s32 @!p1 s17, $0x7F;
	p3 =	sgt.s32 @!p1 s18, $0x7F  }
0x27: {  	s15 =	ssub.s32 @!p1 $0x400, s15;
	p2 =	por !p2, p1;
	p3 =	por !p3, p1  }
0x28: {  	s17 =	sadd.s32 $0x200, s12;
	s16 =	simm.s32 @!p2 $0x0;
	s15 =	simm.s32 @!p3 $0x0  }
0x29: {  	p2 =	sgt.s32 s17, $0x1869F;
	s15 =	smul.u32 @!p1 s15, s16;
	s16 =	sadd.s32 $0x400, s13  }
0x2a: {  	s19 =	smov.u32 @p2 s16  }
0x2b: {  	s17 =	smov.u32 @p2 s4;
	p2 =	sgt.s32 s19, $0x3FF  }
0x2c: {  	s19 =	smov.u32 @p2 s1;
	p2 =	sne.s32 s14, s8  }
.Ltmp1:
0x2d: {  	p0 =	por !p0, !p0;
	s18 =	simm.s32 @!p1 $0x2;
	(pc) =	sbr.rel @!p2 .LBB1_6-.Ltmp1, $4  }
0x2e: {  	s16 =	smov.u32 s10;
	s10 =	smov.u32 s12;
	s15 =	sand.u32 @!p1 $0x3FFFFFFF, s15  }
0x2f: {  	s12 =	smov.u32 s17;
	_ =	swait.ge @!p1 [sflag:s18], s15;
	s20 =	ssub.s32 @!p1 $0x0, s15  }
0x30: {  	s15 =	smov.u32 s11;
	s14 =	sadd.s32 $0x1, s14;
	[sflag:s18] =	ssyncset.done @!p1 $0x0  }
0x31: {  	s11 =	smov.u32 s13;
	s13 =	smov.u32 s19;
	[sflag:s18] =	ssyncadd.s32 @!p1 s20  }
.LBB1_1:
0x32: {  	p1 =	sge.u32 s14, s6  }
0x33: {  	s17 =	sshrl.u32 @!p1 s13, $0x3  }
0x34: {  	s18 =	sshll.u32 @!p1 s12, $0x3;
	s17 =	smul.u32 @!p1 $0xC3800, s17  }
0x35: {  	s19 =	sshll.u32 @!p1 s13, $0x7;
	s18 =	sand.u32 @!p1 $0xFFFFFC00, s18  }
0x36: {  	s17 =	sadd.s32 @!p1 s17, s18;
	s18 =	sand.u32 @!p1 $0x380, s19  }
0x37: {  	s19 =	sand.u32 @!p1 $0x7F, s12;
	s17 =	sor.u32 @!p1 s18, s17  }
0x38: {  	s18 =	sor.u32 @!p1 s19, s17  }
0x39: {  	s19 =	smulhi.u32 @!p1 $0xA79C7B17, s18;
	_ =	sdelay $0x1  }
0x3a: {  	s17 =	smulhi.u32 @!p1 $0xA79C7B17, s17;
	s19 =	sshrl.u32 @!p1 s19, $0x10  }
0x3b: {  	s19 =	smul.u32 @!p1 $0x18700, s19  }
0x3c: {  	s31 =	sadd.s32 $0xFFFFFFFF, s14;
	s20 =	sxor.u32 @!p1 $0xFFFFFFFF, s14;
	s17 =	sshrl.u32 @!p1 s17, $0x10  }
0x3d: {  	s20 =	sshll.u32 @!p1 s20, $0xE;
	s17 =	sand.u32 @!p1 $0x3FF, s17;
	s18 =	ssub.s32 @!p1 s18, s19  }
0x3e: {  	s17 =	smul.u32 @!p1 $0x30E0, s17;
	s19 =	sshrl.u32 @!p1 s18, $0x3;
	s18 =	sand.u32 @!p1 $0x7, s18  }
0x3f: {  	s20 =	sand.u32 @!p1 $0x4000, s20;
	s19 =	sadd.s32 @!p1 s7, s19;
	s18 =	sshll.u32 @!p1 s18, $0x12  }
0x40: {  	s17 =	sadd.s32 @!p1 s17, s19;
	s18 =	sor.u32 @!p1 $0x400, s18;
	s19 =	simm.s32 @!p1 $0xC3800  }
0x41: {  	[tilespmem:s20], [sflag:$0x1] =	stream.strided.gather @!p1 [hbm4b:s17+s18], $0x4000, s19, s18, $0x38;
	[tilespmem:$0x10100] =	vst v63  }
0x42: {  	p1 =	sge.u32 s31, s6  }
.Ltmp2:
0x43: {  	_ = 	snop;
	(pc) =	sbr.rel @p1 .LBB1_5-.Ltmp2, $1  }
0x44: {  	_ =	sdelay $0x3  }
0x45: {  	s17 =	simm.s32 $0x1  }
0x46: {  	_ =	swait.ge [sflag:s5], $0x4000;
	s17 =	simm.s32 @!p0 $0x0  }
0x47: {  	[sflag:s5] =	ssyncset.done $0x0;
	s18 =	sshll.u32 s17, $0xE  }
0x48: {  	[sflag:s5] =	ssyncadd.s32 $0xFFFFC000;
	s18 =	sor.u32 $0x40, s18  }
0x49: {  	s17 =	smul.u32 $0x10200, s17;
	v0 =	vld [tilespmem:s18+$0x30]  }
0x4a: {  	v1 =	vld [tilespmem:s18+$0xFFFFFFD0]  }
0x4b: {  	s17 =	sshrl.u32 s17, $0x2;
	v5 =	vld [tilespmem:s18+$0xFFFFFFE0]  }
0x4c: {  	v6 =	vld [tilespmem:s18+$0xFFFFFFF0];
	s20 =	sor.u32 $0x8000, s17  }
0x4d: {  	s31 =	sand.u32 $0x1, s14;
	v4 =	vld [tilespmem:s18+$0x0];
	s19 =	sadd.s32 $0x0, s20  }
0x4e: {  	v3 =	vld [tilespmem:s18+$0x10];
	s17 =	smul.u32 $0x10200, s31;
	[tilespmem:s19+$0x3870 ss:$0x81] =	vst.msk $0xffff, v0  }
0x4f: {  	v2 =	vld [tilespmem:s18+$0x20];
	[tilespmem:s19+$0x810 ss:$0x81] =	vst.msk $0xffff, v1  }
0x50: {  	s17 =	sshrl.u32 s17, $0x2;
	v1 =	vld [tilespmem:s18+$0xFFFFFFC0];
	[tilespmem:s19+$0x1020 ss:$0x81] =	vst.msk $0xffff, v5;
	s18 =	sadd.s32 $0x80, s18  }
0x51: {  	s21 =	simm.s32 $0x4;
	s22 =	simm.s32 $0x8;
	s17 =	sor.u32 $0x8000, s17;
	[tilespmem:s19+$0x1830 ss:$0x81] =	vst.msk $0xffff, v6;
	v0 =	vld [tilespmem:s18+$0x30]  }
.LBB1_3:
0x52: {  	p1 =	sne.s32 s22, $0x1FC;
	v5 =	vld [tilespmem:s18+$0xFFFFFFD0];
	[tilespmem:s19+$0x2040 ss:$0x81] =	vst.msk $0xffff, v4  }
0x53: {  	v6 =	vld [tilespmem:s18+$0xFFFFFFE0];
	[tilespmem:s19+$0x2850 ss:$0x81] =	vst.msk $0xffff, v3  }
0x54: {  	s23 =	sshra.s32 s21, $0x2;
	s21 =	smov.u32 s22;
	v7 =	vld [tilespmem:s18+$0xFFFFFFF0];
	[tilespmem:s19+$0x3060 ss:$0x81] =	vst.msk $0xffff, v2  }
.Ltmp3:
0x55: {  	v4 =	vld [tilespmem:s18+$0x0];
	[tilespmem:s19+$0x0 ss:$0x81] =	vst.msk $0xffff, v1;
	s19 =	sadd.s32 s23, s20;
	(pc) =	sbr.rel @p1 .LBB1_3-.Ltmp3, $4  }
0x56: {  	v3 =	vld [tilespmem:s18+$0x10];
	[tilespmem:s19+$0x3870 ss:$0x81] =	vst.msk $0xffff, v0  }
0x57: {  	[tilespmem:s19+$0x810 ss:$0x81] =	vst.msk $0xffff, v5;
	v2 =	vld [tilespmem:s18+$0x20]  }
0x58: {  	v1 =	vld [tilespmem:s18+$0xFFFFFFC0];
	[tilespmem:s19+$0x1020 ss:$0x81] =	vst.msk $0xffff, v6;
	s18 =	sadd.s32 $0x80, s18  }
0x59: {  	s22 =	sadd.s32 $0x4, s22;
	v0 =	vld [tilespmem:s18+$0x30];
	[tilespmem:s19+$0x1830 ss:$0x81] =	vst.msk $0xffff, v7  }
.Ltmp4:
0x5a: {  	_ = 	snop;
	(pc) =	sbr.rel .LBB1_4-.Ltmp4, $1  }
0x5b: {  	_ =	sdelay $0x3  }
.LBB1_6:
0x5c: {  	_ =	sfence.sel $0x180000  }
0x5d: {  	s1 =	simm.s32 $0x1;
	[bflag:$0x0] =	sbarrier.arrive $0xFFFF  }
0x5e: {  	s31 =	simm.s32 $0x2;
	[sflag:s1] =	ssyncpa.u1 $0x1  }
0x5f: {  	[sflag:s31] =	ssyncpa.u1 $0x1  }
0x60: {  	p0 =	sne.s32 s0, $0x0;
	_ =	strace $0x9000004A  }
0x61: {  	s0 =	sadd.s32 @!p0 $0x100000, s2;
	[bflag:$0x2] =	sbarrier.arrive $0xFFFF  }
0x62: {  	[sflag:s0] =	ssyncadd.tile.s32 @!p0 $0x1;
	_ =	shalt  }
.Lfunc_end1:
_tile_overlayer_lowered:
.L_overlay_start_2:
0x63: {  	(tag) =	ssettag $0x2  }
0x64: {  	s0 =	rddreg [dreg:$0x0];
	s2 =	stileid.u32  }
0x65: {  	s1 =	rddreg [dreg:$0x1];
	p0 =	sne.s32 s2, $0x0  }
0x66: {  	s3 =	rddreg [dreg:$0x2];
	[bflag:$0x3] =	sbarrier.arrive $0xFFFF;
	s2 =	simm.s32 @!p0 $0x1C01  }
0x67: {  	[timem:s3], [sflag:s2] =	dma.local @!p0 [hbm:s0], s1  }
0x68: {  	s0 =	simm.s32 @!p0 $0x1  }
0x69: {  	_ =	swait.ge @!p0 [sflag:s0], s1  }
0x6a: {  	s1 =	ssub.s32 @!p0 $0x0, s1;
	[sflag:s0] =	ssyncset.done @!p0 $0x0  }
0x6b: {  	[sflag:s0] =	ssyncadd.s32 @!p0 s1  }
0x6c: {  	[bflag:$0x3] =	sbarrier.arrive $0xFFFF  }
0x6d: {  	_ =	shalt  }

</sc_bundles>
